<compile_context>
chip_gen: v7x
topology: tpu7x:2x2x1
jax: 0.10.2.dev20260603
libtpu: 0.0.44.dev20260713+nightly
codegen_flags: <defaults>
</compile_context>

<pallas_src>
import functools

import jax
import jax.numpy as jnp
import numpy as np
from jax import lax
from jax.experimental import pallas as pl
from jax.experimental.pallas import tpu as pltpu
from jax.experimental.pallas import tpu_sc as plsc

N = 32768
D = 768
H = 64
O = 16
E = 8
PER = N // E

TILE = 4096
SC_NS = 16
SC_CHUNK = N // SC_NS
SC_K = SC_CHUNK // 128


def _sc_route_eid(idx3, eid3):
    mesh = plsc.VectorSubcoreMesh(
        core_axis_name="core", subcore_axis_name="subcore", num_cores=1)

    @functools.partial(
        pl.kernel,
        out_type=jax.ShapeDtypeStruct((N,), jnp.int32),
        mesh=mesh,
        scratch_types=[
            pltpu.VMEM((SC_K, 128), jnp.int32),
            pltpu.VMEM((SC_K, 128), jnp.int32),
            pltpu.VMEM((SC_CHUNK,), jnp.int32),
            pltpu.VMEM_SHARED((N,), jnp.int32),
            pltpu.SemaphoreType.DMA,
        ],
    )
    def sc_kernel(idx_hbm, eid_hbm, out_hbm, idx_v, val_v, stage_v, shared, sem):
        sid = lax.axis_index("subcore")
        base = sid * SC_CHUNK
        c_idx = pltpu.async_copy(idx_hbm.at[sid], idx_v, sem)
        c_val = pltpu.async_copy(eid_hbm.at[sid], val_v, sem)
        c_idx.wait()
        c_val.wait()
        scatters = [
            pltpu.async_copy(val_v.at[j], shared.at[idx_v.at[j]], sem)
            for j in range(SC_K)
        ]
        for c in scatters:
            c.wait()
        plsc.subcore_barrier()
        pltpu.sync_copy(shared.at[pl.ds(base, SC_CHUNK)], stage_v)
        pltpu.sync_copy(stage_v, out_hbm.at[pl.ds(base, SC_CHUNK)])

    return sc_kernel(idx3, eid3)


def _mlp_kernel(emb_ref, eid_ref, w1_ref, b1_ref, w2_ref, out_ref):
    x = emb_ref[...].astype(jnp.bfloat16)
    h = jax.lax.dot_general(
        w1_ref[...], x, (((0,), (1,)), ((), ())),
        preferred_element_type=jnp.float32,
    ) + b1_ref[...]
    h = h * jax.nn.sigmoid(h)
    eid = eid_ref[...]
    slot = jax.lax.broadcasted_iota(jnp.int32, (E * H, 1), 0) // H
    hm = jnp.where(eid == slot, h, 0.0).astype(jnp.bfloat16)
    oh8 = jnp.where(
        eid == jax.lax.broadcasted_iota(jnp.int32, (E, 1), 0),
        jnp.float32(1.0), jnp.float32(0.0)).astype(jnp.bfloat16)
    hm_aug = jnp.concatenate([hm, oh8], axis=0)
    out_ref[...] = jax.lax.dot_general(
        hm_aug, w2_ref[...], (((0,), (0,)), ((), ())),
        preferred_element_type=jnp.float32,
    )


def kernel(species, embedding, idx_0, idx_1, idx_2, idx_3, idx_4, idx_5,
           idx_6, idx_7, W1, b1, W2, b2):
    idx_cat = jnp.concatenate(
        [idx_0, idx_1, idx_2, idx_3, idx_4, idx_5, idx_6, idx_7])
    idx3 = idx_cat.astype(jnp.int32).reshape(SC_NS, SC_K, 128)
    eid3 = jnp.broadcast_to(
        jnp.arange(E, dtype=jnp.int32)[:, None], (E, PER)
    ).reshape(SC_NS, SC_K, 128)

    eid = _sc_route_eid(idx3, eid3).reshape(1, N)

    w1_cat = jnp.transpose(W1, (1, 0, 2)).reshape(D, E * H).astype(jnp.bfloat16)
    b1_cat = b1.reshape(E * H, 1)
    w2_aug = jnp.concatenate(
        [W2.reshape(E * H, O), b2], axis=0).astype(jnp.bfloat16)

    out = pl.pallas_call(
        _mlp_kernel,
        grid=(N // TILE,),
        in_specs=[
            pl.BlockSpec((TILE, D), lambda i: (i, 0)),
            pl.BlockSpec((1, TILE), lambda i: (0, i)),
            pl.BlockSpec((D, E * H), lambda i: (0, 0)),
            pl.BlockSpec((E * H, 1), lambda i: (0, 0)),
            pl.BlockSpec((E * H + E, O), lambda i: (0, 0)),
        ],
        out_specs=pl.BlockSpec((TILE, O), lambda i: (i, 0)),
        out_shape=jax.ShapeDtypeStruct((N, O), jnp.float32),
        compiler_params=pltpu.CompilerParams(
            dimension_semantics=("arbitrary",),
        ),
    )(embedding, eid, w1_cat, b1_cat, w2_aug)
    return out

# --- scband reference (transcript-rebuilt; emitter-appended) ---
"""Pipeline reference for scband-block-index-net-85435489452607 (READ-ONLY COPY).

The authoritative reference and input builder live on the scoring server;
editing this copy changes nothing except your own understanding.
"""

import jax, jax.numpy as jnp
import numpy as np

N = 32768   # tokens (atoms)
D = 768     # embedding dim
H = 64      # hidden neurons
O = 16      # output_dim
E = 8       # number of blocks (species-specific networks)
PER = N // E


def setup_inputs(seed: int = 0) -> dict:
    key = jax.random.key(seed)
    ks = jax.random.split(key, 8)
    species = jax.random.randint(ks[0], (N,), 0, 100, dtype=jnp.int32)
    embedding = jax.random.normal(ks[1], (N, D), dtype=jnp.float32)
    # disjoint block index (each token assigned to exactly one block)
    perm = jax.random.permutation(ks[2], N).astype(jnp.int32)
    inp = {"species": species, "embedding": embedding}
    for s in range(E):
        inp[f"idx_{s}"] = perm[s * PER:(s + 1) * PER]
    # per-block FullyConnectedNet params: Layer_1 (D->H), Layer_2 (H->O), lecun_normal-like init
    inp["W1"] = jax.random.normal(ks[3], (E, D, H), dtype=jnp.float32) / np.sqrt(D)
    inp["b1"] = jnp.zeros((E, H), dtype=jnp.float32)
    inp["W2"] = jax.random.normal(ks[4], (E, H, O), dtype=jnp.float32) / np.sqrt(H)
    inp["b2"] = jnp.zeros((E, O), dtype=jnp.float32)
    return inp


def reference(species, embedding, idx_0, idx_1, idx_2, idx_3, idx_4, idx_5, idx_6, idx_7, W1, b1, W2, b2):
    idx_list = [idx_0, idx_1, idx_2, idx_3, idx_4, idx_5, idx_6, idx_7]
    outputs = []
    indices = []
    for s in range(E):
        idx = idx_list[s]
        x = embedding[idx]                      # gather tokens for this block
        h = jax.nn.silu(x @ W1[s] + b1[s])      # FullyConnectedNet Layer_1 + silu
        o = h @ W2[s] + b2[s]                   # FullyConnectedNet Layer_2
        outputs.append(o)
        indices.append(idx)
    o = jnp.concatenate(outputs, axis=0)
    idx = jnp.concatenate(indices, axis=0)
    out = jnp.zeros((species.shape[0], o.shape[-1]), dtype=o.dtype).at[idx].set(o, mode='drop')
    return out

if __name__ == "__main__":
    import jax
    _d = setup_inputs()
    print(jax.jit(kernel)(*tuple(_d.values())))

</pallas_src>

<mosaic_0001>
#map = affine_map<(d0, d1) -> (0, 0, 0)>
#map1 = affine_map<(d0, d1) -> (0)>
module attributes {stable_mosaic.version = 14 : i64} {
  func.func @sc_kernel(%arg0: i32, %arg1: i32, %arg2: memref<16x16x128xi32, #tpu.memory_space<hbm>>, %arg3: memref<16x16x128xi32, #tpu.memory_space<hbm>>, %arg4: memref<32768xi32, #tpu.memory_space<hbm>>, %arg5: memref<16x128xi32, #tpu.memory_space<vmem>>, %arg6: memref<16x128xi32, #tpu.memory_space<vmem>>, %arg7: memref<2048xi32, #tpu.memory_space<vmem>>, %arg8: memref<32768xi32, #tpu.memory_space<vmem_shared>>, %arg9: memref<!tpu.dma_semaphore, #tpu.memory_space<semaphore_mem>>) attributes {dimension_semantics = [#tpu.dimension_semantics<core_parallel>, #tpu.dimension_semantics<subcore_parallel>], iteration_bounds = array<i64: 1, 16>, scalar_prefetch = 0 : i64, scratch_operands = 5 : i64, tpu.core_type = #tpu.core_type<sc_vector_subcore>, window_params = [{transform_indices = #map}, {transform_indices = #map}, {transform_indices = #map1}]} {
    %mul3A = arith.constant 2048 : i32
    %mul3A_0 = arith.muli %arg1, %mul3A : i32
    %dma_start3A = arith.constant 0 : i32
    %dma_start3A_1 = arith.constant 0 : i32
    %dma_start3A_2 = tpu.memref_slice %arg2[%arg1, %dma_start3A, %dma_start3A_1] : memref<16x16x128xi32, #tpu.memory_space<hbm>> -> memref<1x16x128xi32, #tpu.memory_space<hbm>>
    %dma_start3A_3 = tpu.memref_squeeze %dma_start3A_2 : memref<1x16x128xi32, #tpu.memory_space<hbm>> -> memref<16x128xi32, #tpu.memory_space<hbm>>
    %dma_start3A_4 = arith.constant 0 : i32
    %dma_start3A_5 = arith.constant 0 : i32
    %dma_start3A_6 = tpu.memref_slice %arg2[%arg1, %dma_start3A_4, %dma_start3A_5] : memref<16x16x128xi32, #tpu.memory_space<hbm>> -> memref<1x16x128xi32, #tpu.memory_space<hbm>>
    %dma_start3A_7 = tpu.memref_squeeze %dma_start3A_6 : memref<1x16x128xi32, #tpu.memory_space<hbm>> -> memref<16x128xi32, #tpu.memory_space<hbm>>
    tpu.enqueue_dma source(%dma_start3A_7 : memref<16x128xi32, #tpu.memory_space<hbm>>) target(%arg5 : memref<16x128xi32, #tpu.memory_space<vmem>>) target_semaphore(%arg9 : memref<!tpu.dma_semaphore, #tpu.memory_space<semaphore_mem>>)
    %dma_start3A_8 = arith.constant 0 : i32
    %dma_start3A_9 = arith.constant 0 : i32
    %dma_start3A_10 = tpu.memref_slice %arg3[%arg1, %dma_start3A_8, %dma_start3A_9] : memref<16x16x128xi32, #tpu.memory_space<hbm>> -> memref<1x16x128xi32, #tpu.memory_space<hbm>>
    %dma_start3A_11 = tpu.memref_squeeze %dma_start3A_10 : memref<1x16x128xi32, #tpu.memory_space<hbm>> -> memref<16x128xi32, #tpu.memory_space<hbm>>
    %dma_start3A_12 = arith.constant 0 : i32
    %dma_start3A_13 = arith.constant 0 : i32
    %dma_start3A_14 = tpu.memref_slice %arg3[%arg1, %dma_start3A_12, %dma_start3A_13] : memref<16x16x128xi32, #tpu.memory_space<hbm>> -> memref<1x16x128xi32, #tpu.memory_space<hbm>>
    %dma_start3A_15 = tpu.memref_squeeze %dma_start3A_14 : memref<1x16x128xi32, #tpu.memory_space<hbm>> -> memref<16x128xi32, #tpu.memory_space<hbm>>
    tpu.enqueue_dma source(%dma_start3A_15 : memref<16x128xi32, #tpu.memory_space<hbm>>) target(%arg6 : memref<16x128xi32, #tpu.memory_space<vmem>>) target_semaphore(%arg9 : memref<!tpu.dma_semaphore, #tpu.memory_space<semaphore_mem>>)
    %dma_wait3A = arith.constant 0 : i32
    %dma_wait3A_16 = arith.constant 0 : i32
    %dma_wait3A_17 = tpu.memref_slice %arg2[%arg1, %dma_wait3A, %dma_wait3A_16] : memref<16x16x128xi32, #tpu.memory_space<hbm>> -> memref<1x16x128xi32, #tpu.memory_space<hbm>>
    %dma_wait3A_18 = tpu.memref_squeeze %dma_wait3A_17 : memref<1x16x128xi32, #tpu.memory_space<hbm>> -> memref<16x128xi32, #tpu.memory_space<hbm>>
    %dma_wait3A_19 = arith.constant 0 : i32
    %dma_wait3A_20 = arith.constant 0 : i32
    %dma_wait3A_21 = tpu.memref_slice %arg2[%arg1, %dma_wait3A_19, %dma_wait3A_20] : memref<16x16x128xi32, #tpu.memory_space<hbm>> -> memref<1x16x128xi32, #tpu.memory_space<hbm>>
    %dma_wait3A_22 = tpu.memref_squeeze %dma_wait3A_21 : memref<1x16x128xi32, #tpu.memory_space<hbm>> -> memref<16x128xi32, #tpu.memory_space<hbm>>
    tpu.wait_dma2 semaphore(%arg9 : memref<!tpu.dma_semaphore, #tpu.memory_space<semaphore_mem>>) src(%dma_wait3A_22 : memref<16x128xi32, #tpu.memory_space<hbm>>) dst(%arg5 : memref<16x128xi32, #tpu.memory_space<vmem>>)
    %dma_wait3A_23 = arith.constant 0 : i32
    %dma_wait3A_24 = arith.constant 0 : i32
    %dma_wait3A_25 = tpu.memref_slice %arg3[%arg1, %dma_wait3A_23, %dma_wait3A_24] : memref<16x16x128xi32, #tpu.memory_space<hbm>> -> memref<1x16x128xi32, #tpu.memory_space<hbm>>
    %dma_wait3A_26 = tpu.memref_squeeze %dma_wait3A_25 : memref<1x16x128xi32, #tpu.memory_space<hbm>> -> memref<16x128xi32, #tpu.memory_space<hbm>>
    %dma_wait3A_27 = arith.constant 0 : i32
    %dma_wait3A_28 = arith.constant 0 : i32
    %dma_wait3A_29 = tpu.memref_slice %arg3[%arg1, %dma_wait3A_27, %dma_wait3A_28] : memref<16x16x128xi32, #tpu.memory_space<hbm>> -> memref<1x16x128xi32, #tpu.memory_space<hbm>>
    %dma_wait3A_30 = tpu.memref_squeeze %dma_wait3A_29 : memref<1x16x128xi32, #tpu.memory_space<hbm>> -> memref<16x128xi32, #tpu.memory_space<hbm>>
    tpu.wait_dma2 semaphore(%arg9 : memref<!tpu.dma_semaphore, #tpu.memory_space<semaphore_mem>>) src(%dma_wait3A_30 : memref<16x128xi32, #tpu.memory_space<hbm>>) dst(%arg6 : memref<16x128xi32, #tpu.memory_space<vmem>>)
    %dma_start3A_31 = arith.constant 0 : i32
    %dma_start3A_32 = arith.constant 0 : i32
    %dma_start3A_33 = arith.constant 0 : i32
    %dma_start3A_34 = tpu.memref_slice %arg6[%dma_start3A_31, %dma_start3A_33] : memref<16x128xi32, #tpu.memory_space<vmem>> -> memref<1x128xi32, #tpu.memory_space<vmem>>
    %dma_start3A_35 = tpu.memref_squeeze %dma_start3A_34 : memref<1x128xi32, #tpu.memory_space<vmem>> -> memref<128xi32, #tpu.memory_space<vmem>>
    %dma_start3A_36 = arith.constant 0 : i32
    %dma_start3A_37 = tpu.memref_slice %arg5[%dma_start3A_32, %dma_start3A_36] : memref<16x128xi32, #tpu.memory_space<vmem>> -> memref<1x128xi32, #tpu.memory_space<vmem>>
    %dma_start3A_38 = tpu.memref_squeeze %dma_start3A_37 : memref<1x128xi32, #tpu.memory_space<vmem>> -> memref<128xi32, #tpu.memory_space<vmem>>
    %dma_start3A_39 = arith.constant 0 : i32
    %dma_start3A_40 = tpu.memref_slice %arg8[%dma_start3A_39] : memref<32768xi32, #tpu.memory_space<vmem_shared>> -> memref<32768xi32, #tpu.memory_space<vmem_shared>>
    tpu.enqueue_indirect_dma source(%dma_start3A_35 : memref<128xi32, #tpu.memory_space<vmem>>) target(%dma_start3A_40 : memref<32768xi32, #tpu.memory_space<vmem_shared>>) offsets(%dma_start3A_38 : memref<128xi32, #tpu.memory_space<vmem>>) semaphore(%arg9 : memref<!tpu.dma_semaphore, #tpu.memory_space<semaphore_mem>>)
    %dma_start3A_41 = arith.constant 1 : i32
    %dma_start3A_42 = arith.constant 1 : i32
    %dma_start3A_43 = arith.constant 0 : i32
    %dma_start3A_44 = tpu.memref_slice %arg6[%dma_start3A_41, %dma_start3A_43] : memref<16x128xi32, #tpu.memory_space<vmem>> -> memref<1x128xi32, #tpu.memory_space<vmem>>
    %dma_start3A_45 = tpu.memref_squeeze %dma_start3A_44 : memref<1x128xi32, #tpu.memory_space<vmem>> -> memref<128xi32, #tpu.memory_space<vmem>>
    %dma_start3A_46 = arith.constant 0 : i32
    %dma_start3A_47 = tpu.memref_slice %arg5[%dma_start3A_42, %dma_start3A_46] : memref<16x128xi32, #tpu.memory_space<vmem>> -> memref<1x128xi32, #tpu.memory_space<vmem>>
    %dma_start3A_48 = tpu.memref_squeeze %dma_start3A_47 : memref<1x128xi32, #tpu.memory_space<vmem>> -> memref<128xi32, #tpu.memory_space<vmem>>
    %dma_start3A_49 = arith.constant 0 : i32
    %dma_start3A_50 = tpu.memref_slice %arg8[%dma_start3A_49] : memref<32768xi32, #tpu.memory_space<vmem_shared>> -> memref<32768xi32, #tpu.memory_space<vmem_shared>>
    tpu.enqueue_indirect_dma source(%dma_start3A_45 : memref<128xi32, #tpu.memory_space<vmem>>) target(%dma_start3A_50 : memref<32768xi32, #tpu.memory_space<vmem_shared>>) offsets(%dma_start3A_48 : memref<128xi32, #tpu.memory_space<vmem>>) semaphore(%arg9 : memref<!tpu.dma_semaphore, #tpu.memory_space<semaphore_mem>>)
    %dma_start3A_51 = arith.constant 2 : i32
    %dma_start3A_52 = arith.constant 2 : i32
    %dma_start3A_53 = arith.constant 0 : i32
    %dma_start3A_54 = tpu.memref_slice %arg6[%dma_start3A_51, %dma_start3A_53] : memref<16x128xi32, #tpu.memory_space<vmem>> -> memref<1x128xi32, #tpu.memory_space<vmem>>
    %dma_start3A_55 = tpu.memref_squeeze %dma_start3A_54 : memref<1x128xi32, #tpu.memory_space<vmem>> -> memref<128xi32, #tpu.memory_space<vmem>>
    %dma_start3A_56 = arith.constant 0 : i32
    %dma_start3A_57 = tpu.memref_slice %arg5[%dma_start3A_52, %dma_start3A_56] : memref<16x128xi32, #tpu.memory_space<vmem>> -> memref<1x128xi32, #tpu.memory_space<vmem>>
    %dma_start3A_58 = tpu.memref_squeeze %dma_start3A_57 : memref<1x128xi32, #tpu.memory_space<vmem>> -> memref<128xi32, #tpu.memory_space<vmem>>
    %dma_start3A_59 = arith.constant 0 : i32
    %dma_start3A_60 = tpu.memref_slice %arg8[%dma_start3A_59] : memref<32768xi32, #tpu.memory_space<vmem_shared>> -> memref<32768xi32, #tpu.memory_space<vmem_shared>>
    tpu.enqueue_indirect_dma source(%dma_start3A_55 : memref<128xi32, #tpu.memory_space<vmem>>) target(%dma_start3A_60 : memref<32768xi32, #tpu.memory_space<vmem_shared>>) offsets(%dma_start3A_58 : memref<128xi32, #tpu.memory_space<vmem>>) semaphore(%arg9 : memref<!tpu.dma_semaphore, #tpu.memory_space<semaphore_mem>>)
    %dma_start3A_61 = arith.constant 3 : i32
    %dma_start3A_62 = arith.constant 3 : i32
    %dma_start3A_63 = arith.constant 0 : i32
    %dma_start3A_64 = tpu.memref_slice %arg6[%dma_start3A_61, %dma_start3A_63] : memref<16x128xi32, #tpu.memory_space<vmem>> -> memref<1x128xi32, #tpu.memory_space<vmem>>
    %dma_start3A_65 = tpu.memref_squeeze %dma_start3A_64 : memref<1x128xi32, #tpu.memory_space<vmem>> -> memref<128xi32, #tpu.memory_space<vmem>>
    %dma_start3A_66 = arith.constant 0 : i32
    %dma_start3A_67 = tpu.memref_slice %arg5[%dma_start3A_62, %dma_start3A_66] : memref<16x128xi32, #tpu.memory_space<vmem>> -> memref<1x128xi32, #tpu.memory_space<vmem>>
    %dma_start3A_68 = tpu.memref_squeeze %dma_start3A_67 : memref<1x128xi32, #tpu.memory_space<vmem>> -> memref<128xi32, #tpu.memory_space<vmem>>
    %dma_start3A_69 = arith.constant 0 : i32
    %dma_start3A_70 = tpu.memref_slice %arg8[%dma_start3A_69] : memref<32768xi32, #tpu.memory_space<vmem_shared>> -> memref<32768xi32, #tpu.memory_space<vmem_shared>>
    tpu.enqueue_indirect_dma source(%dma_start3A_65 : memref<128xi32, #tpu.memory_space<vmem>>) target(%dma_start3A_70 : memref<32768xi32, #tpu.memory_space<vmem_shared>>) offsets(%dma_start3A_68 : memref<128xi32, #tpu.memory_space<vmem>>) semaphore(%arg9 : memref<!tpu.dma_semaphore, #tpu.memory_space<semaphore_mem>>)
    %dma_start3A_71 = arith.constant 4 : i32
    %dma_start3A_72 = arith.constant 4 : i32
    %dma_start3A_73 = arith.constant 0 : i32
    %dma_start3A_74 = tpu.memref_slice %arg6[%dma_start3A_71, %dma_start3A_73] : memref<16x128xi32, #tpu.memory_space<vmem>> -> memref<1x128xi32, #tpu.memory_space<vmem>>
    %dma_start3A_75 = tpu.memref_squeeze %dma_start3A_74 : memref<1x128xi32, #tpu.memory_space<vmem>> -> memref<128xi32, #tpu.memory_space<vmem>>
    %dma_start3A_76 = arith.constant 0 : i32
    %dma_start3A_77 = tpu.memref_slice %arg5[%dma_start3A_72, %dma_start3A_76] : memref<16x128xi32, #tpu.memory_space<vmem>> -> memref<1x128xi32, #tpu.memory_space<vmem>>
    %dma_start3A_78 = tpu.memref_squeeze %dma_start3A_77 : memref<1x128xi32, #tpu.memory_space<vmem>> -> memref<128xi32, #tpu.memory_space<vmem>>
    %dma_start3A_79 = arith.constant 0 : i32
    %dma_start3A_80 = tpu.memref_slice %arg8[%dma_start3A_79] : memref<32768xi32, #tpu.memory_space<vmem_shared>> -> memref<32768xi32, #tpu.memory_space<vmem_shared>>
    tpu.enqueue_indirect_dma source(%dma_start3A_75 : memref<128xi32, #tpu.memory_space<vmem>>) target(%dma_start3A_80 : memref<32768xi32, #tpu.memory_space<vmem_shared>>) offsets(%dma_start3A_78 : memref<128xi32, #tpu.memory_space<vmem>>) semaphore(%arg9 : memref<!tpu.dma_semaphore, #tpu.memory_space<semaphore_mem>>)
    %dma_start3A_81 = arith.constant 5 : i32
    %dma_start3A_82 = arith.constant 5 : i32
    %dma_start3A_83 = arith.constant 0 : i32
    %dma_start3A_84 = tpu.memref_slice %arg6[%dma_start3A_81, %dma_start3A_83] : memref<16x128xi32, #tpu.memory_space<vmem>> -> memref<1x128xi32, #tpu.memory_space<vmem>>
    %dma_start3A_85 = tpu.memref_squeeze %dma_start3A_84 : memref<1x128xi32, #tpu.memory_space<vmem>> -> memref<128xi32, #tpu.memory_space<vmem>>
    %dma_start3A_86 = arith.constant 0 : i32
    %dma_start3A_87 = tpu.memref_slice %arg5[%dma_start3A_82, %dma_start3A_86] : memref<16x128xi32, #tpu.memory_space<vmem>> -> memref<1x128xi32, #tpu.memory_space<vmem>>
    %dma_start3A_88 = tpu.memref_squeeze %dma_start3A_87 : memref<1x128xi32, #tpu.memory_space<vmem>> -> memref<128xi32, #tpu.memory_space<vmem>>
    %dma_start3A_89 = arith.constant 0 : i32
    %dma_start3A_90 = tpu.memref_slice %arg8[%dma_start3A_89] : memref<32768xi32, #tpu.memory_space<vmem_shared>> -> memref<32768xi32, #tpu.memory_space<vmem_shared>>
    tpu.enqueue_indirect_dma source(%dma_start3A_85 : memref<128xi32, #tpu.memory_space<vmem>>) target(%dma_start3A_90 : memref<32768xi32, #tpu.memory_space<vmem_shared>>) offsets(%dma_start3A_88 : memref<128xi32, #tpu.memory_space<vmem>>) semaphore(%arg9 : memref<!tpu.dma_semaphore, #tpu.memory_space<semaphore_mem>>)
    %dma_start3A_91 = arith.constant 6 : i32
    %dma_start3A_92 = arith.constant 6 : i32
    %dma_start3A_93 = arith.constant 0 : i32
    %dma_start3A_94 = tpu.memref_slice %arg6[%dma_start3A_91, %dma_start3A_93] : memref<16x128xi32, #tpu.memory_space<vmem>> -> memref<1x128xi32, #tpu.memory_space<vmem>>
    %dma_start3A_95 = tpu.memref_squeeze %dma_start3A_94 : memref<1x128xi32, #tpu.memory_space<vmem>> -> memref<128xi32, #tpu.memory_space<vmem>>
    %dma_start3A_96 = arith.constant 0 : i32
    %dma_start3A_97 = tpu.memref_slice %arg5[%dma_start3A_92, %dma_start3A_96] : memref<16x128xi32, #tpu.memory_space<vmem>> -> memref<1x128xi32, #tpu.memory_space<vmem>>
    %dma_start3A_98 = tpu.memref_squeeze %dma_start3A_97 : memref<1x128xi32, #tpu.memory_space<vmem>> -> memref<128xi32, #tpu.memory_space<vmem>>
    %dma_start3A_99 = arith.constant 0 : i32
    %dma_start3A_100 = tpu.memref_slice %arg8[%dma_start3A_99] : memref<32768xi32, #tpu.memory_space<vmem_shared>> -> memref<32768xi32, #tpu.memory_space<vmem_shared>>
    tpu.enqueue_indirect_dma source(%dma_start3A_95 : memref<128xi32, #tpu.memory_space<vmem>>) target(%dma_start3A_100 : memref<32768xi32, #tpu.memory_space<vmem_shared>>) offsets(%dma_start3A_98 : memref<128xi32, #tpu.memory_space<vmem>>) semaphore(%arg9 : memref<!tpu.dma_semaphore, #tpu.memory_space<semaphore_mem>>)
    %dma_start3A_101 = arith.constant 7 : i32
    %dma_start3A_102 = arith.constant 7 : i32
    %dma_start3A_103 = arith.constant 0 : i32
    %dma_start3A_104 = tpu.memref_slice %arg6[%dma_start3A_101, %dma_start3A_103] : memref<16x128xi32, #tpu.memory_space<vmem>> -> memref<1x128xi32, #tpu.memory_space<vmem>>
    %dma_start3A_105 = tpu.memref_squeeze %dma_start3A_104 : memref<1x128xi32, #tpu.memory_space<vmem>> -> memref<128xi32, #tpu.memory_space<vmem>>
    %dma_start3A_106 = arith.constant 0 : i32
    %dma_start3A_107 = tpu.memref_slice %arg5[%dma_start3A_102, %dma_start3A_106] : memref<16x128xi32, #tpu.memory_space<vmem>> -> memref<1x128xi32, #tpu.memory_space<vmem>>
    %dma_start3A_108 = tpu.memref_squeeze %dma_start3A_107 : memref<1x128xi32, #tpu.memory_space<vmem>> -> memref<128xi32, #tpu.memory_space<vmem>>
    %dma_start3A_109 = arith.constant 0 : i32
    %dma_start3A_110 = tpu.memref_slice %arg8[%dma_start3A_109] : memref<32768xi32, #tpu.memory_space<vmem_shared>> -> memref<32768xi32, #tpu.memory_space<vmem_shared>>
    tpu.enqueue_indirect_dma source(%dma_start3A_105 : memref<128xi32, #tpu.memory_space<vmem>>) target(%dma_start3A_110 : memref<32768xi32, #tpu.memory_space<vmem_shared>>) offsets(%dma_start3A_108 : memref<128xi32, #tpu.memory_space<vmem>>) semaphore(%arg9 : memref<!tpu.dma_semaphore, #tpu.memory_space<semaphore_mem>>)
    %dma_start3A_111 = arith.constant 8 : i32
    %dma_start3A_112 = arith.constant 8 : i32
    %dma_start3A_113 = arith.constant 0 : i32
    %dma_start3A_114 = tpu.memref_slice %arg6[%dma_start3A_111, %dma_start3A_113] : memref<16x128xi32, #tpu.memory_space<vmem>> -> memref<1x128xi32, #tpu.memory_space<vmem>>
    %dma_start3A_115 = tpu.memref_squeeze %dma_start3A_114 : memref<1x128xi32, #tpu.memory_space<vmem>> -> memref<128xi32, #tpu.memory_space<vmem>>
    %dma_start3A_116 = arith.constant 0 : i32
    %dma_start3A_117 = tpu.memref_slice %arg5[%dma_start3A_112, %dma_start3A_116] : memref<16x128xi32, #tpu.memory_space<vmem>> -> memref<1x128xi32, #tpu.memory_space<vmem>>
    %dma_start3A_118 = tpu.memref_squeeze %dma_start3A_117 : memref<1x128xi32, #tpu.memory_space<vmem>> -> memref<128xi32, #tpu.memory_space<vmem>>
    %dma_start3A_119 = arith.constant 0 : i32
    %dma_start3A_120 = tpu.memref_slice %arg8[%dma_start3A_119] : memref<32768xi32, #tpu.memory_space<vmem_shared>> -> memref<32768xi32, #tpu.memory_space<vmem_shared>>
    tpu.enqueue_indirect_dma source(%dma_start3A_115 : memref<128xi32, #tpu.memory_space<vmem>>) target(%dma_start3A_120 : memref<32768xi32, #tpu.memory_space<vmem_shared>>) offsets(%dma_start3A_118 : memref<128xi32, #tpu.memory_space<vmem>>) semaphore(%arg9 : memref<!tpu.dma_semaphore, #tpu.memory_space<semaphore_mem>>)
    %dma_start3A_121 = arith.constant 9 : i32
    %dma_start3A_122 = arith.constant 9 : i32
    %dma_start3A_123 = arith.constant 0 : i32
    %dma_start3A_124 = tpu.memref_slice %arg6[%dma_start3A_121, %dma_start3A_123] : memref<16x128xi32, #tpu.memory_space<vmem>> -> memref<1x128xi32, #tpu.memory_space<vmem>>
    %dma_start3A_125 = tpu.memref_squeeze %dma_start3A_124 : memref<1x128xi32, #tpu.memory_space<vmem>> -> memref<128xi32, #tpu.memory_space<vmem>>
    %dma_start3A_126 = arith.constant 0 : i32
    %dma_start3A_127 = tpu.memref_slice %arg5[%dma_start3A_122, %dma_start3A_126] : memref<16x128xi32, #tpu.memory_space<vmem>> -> memref<1x128xi32, #tpu.memory_space<vmem>>
    %dma_start3A_128 = tpu.memref_squeeze %dma_start3A_127 : memref<1x128xi32, #tpu.memory_space<vmem>> -> memref<128xi32, #tpu.memory_space<vmem>>
    %dma_start3A_129 = arith.constant 0 : i32
    %dma_start3A_130 = tpu.memref_slice %arg8[%dma_start3A_129] : memref<32768xi32, #tpu.memory_space<vmem_shared>> -> memref<32768xi32, #tpu.memory_space<vmem_shared>>
    tpu.enqueue_indirect_dma source(%dma_start3A_125 : memref<128xi32, #tpu.memory_space<vmem>>) target(%dma_start3A_130 : memref<32768xi32, #tpu.memory_space<vmem_shared>>) offsets(%dma_start3A_128 : memref<128xi32, #tpu.memory_space<vmem>>) semaphore(%arg9 : memref<!tpu.dma_semaphore, #tpu.memory_space<semaphore_mem>>)
    %dma_start3A_131 = arith.constant 10 : i32
    %dma_start3A_132 = arith.constant 10 : i32
    %dma_start3A_133 = arith.constant 0 : i32
    %dma_start3A_134 = tpu.memref_slice %arg6[%dma_start3A_131, %dma_start3A_133] : memref<16x128xi32, #tpu.memory_space<vmem>> -> memref<1x128xi32, #tpu.memory_space<vmem>>
    %dma_start3A_135 = tpu.memref_squeeze %dma_start3A_134 : memref<1x128xi32, #tpu.memory_space<vmem>> -> memref<128xi32, #tpu.memory_space<vmem>>
    %dma_start3A_136 = arith.constant 0 : i32
    %dma_start3A_137 = tpu.memref_slice %arg5[%dma_start3A_132, %dma_start3A_136] : memref<16x128xi32, #tpu.memory_space<vmem>> -> memref<1x128xi32, #tpu.memory_space<vmem>>
    %dma_start3A_138 = tpu.memref_squeeze %dma_start3A_137 : memref<1x128xi32, #tpu.memory_space<vmem>> -> memref<128xi32, #tpu.memory_space<vmem>>
    %dma_start3A_139 = arith.constant 0 : i32
    %dma_start3A_140 = tpu.memref_slice %arg8[%dma_start3A_139] : memref<32768xi32, #tpu.memory_space<vmem_shared>> -> memref<32768xi32, #tpu.memory_space<vmem_shared>>
    tpu.enqueue_indirect_dma source(%dma_start3A_135 : memref<128xi32, #tpu.memory_space<vmem>>) target(%dma_start3A_140 : memref<32768xi32, #tpu.memory_space<vmem_shared>>) offsets(%dma_start3A_138 : memref<128xi32, #tpu.memory_space<vmem>>) semaphore(%arg9 : memref<!tpu.dma_semaphore, #tpu.memory_space<semaphore_mem>>)
    %dma_start3A_141 = arith.constant 11 : i32
    %dma_start3A_142 = arith.constant 11 : i32
    %dma_start3A_143 = arith.constant 0 : i32
    %dma_start3A_144 = tpu.memref_slice %arg6[%dma_start3A_141, %dma_start3A_143] : memref<16x128xi32, #tpu.memory_space<vmem>> -> memref<1x128xi32, #tpu.memory_space<vmem>>
    %dma_start3A_145 = tpu.memref_squeeze %dma_start3A_144 : memref<1x128xi32, #tpu.memory_space<vmem>> -> memref<128xi32, #tpu.memory_space<vmem>>
    %dma_start3A_146 = arith.constant 0 : i32
    %dma_start3A_147 = tpu.memref_slice %arg5[%dma_start3A_142, %dma_start3A_146] : memref<16x128xi32, #tpu.memory_space<vmem>> -> memref<1x128xi32, #tpu.memory_space<vmem>>
    %dma_start3A_148 = tpu.memref_squeeze %dma_start3A_147 : memref<1x128xi32, #tpu.memory_space<vmem>> -> memref<128xi32, #tpu.memory_space<vmem>>
    %dma_start3A_149 = arith.constant 0 : i32
    %dma_start3A_150 = tpu.memref_slice %arg8[%dma_start3A_149] : memref<32768xi32, #tpu.memory_space<vmem_shared>> -> memref<32768xi32, #tpu.memory_space<vmem_shared>>
    tpu.enqueue_indirect_dma source(%dma_start3A_145 : memref<128xi32, #tpu.memory_space<vmem>>) target(%dma_start3A_150 : memref<32768xi32, #tpu.memory_space<vmem_shared>>) offsets(%dma_start3A_148 : memref<128xi32, #tpu.memory_space<vmem>>) semaphore(%arg9 : memref<!tpu.dma_semaphore, #tpu.memory_space<semaphore_mem>>)
    %dma_start3A_151 = arith.constant 12 : i32
    %dma_start3A_152 = arith.constant 12 : i32
    %dma_start3A_153 = arith.constant 0 : i32
    %dma_start3A_154 = tpu.memref_slice %arg6[%dma_start3A_151, %dma_start3A_153] : memref<16x128xi32, #tpu.memory_space<vmem>> -> memref<1x128xi32, #tpu.memory_space<vmem>>
    %dma_start3A_155 = tpu.memref_squeeze %dma_start3A_154 : memref<1x128xi32, #tpu.memory_space<vmem>> -> memref<128xi32, #tpu.memory_space<vmem>>
    %dma_start3A_156 = arith.constant 0 : i32
    %dma_start3A_157 = tpu.memref_slice %arg5[%dma_start3A_152, %dma_start3A_156] : memref<16x128xi32, #tpu.memory_space<vmem>> -> memref<1x128xi32, #tpu.memory_space<vmem>>
    %dma_start3A_158 = tpu.memref_squeeze %dma_start3A_157 : memref<1x128xi32, #tpu.memory_space<vmem>> -> memref<128xi32, #tpu.memory_space<vmem>>
    %dma_start3A_159 = arith.constant 0 : i32
    %dma_start3A_160 = tpu.memref_slice %arg8[%dma_start3A_159] : memref<32768xi32, #tpu.memory_space<vmem_shared>> -> memref<32768xi32, #tpu.memory_space<vmem_shared>>
    tpu.enqueue_indirect_dma source(%dma_start3A_155 : memref<128xi32, #tpu.memory_space<vmem>>) target(%dma_start3A_160 : memref<32768xi32, #tpu.memory_space<vmem_shared>>) offsets(%dma_start3A_158 : memref<128xi32, #tpu.memory_space<vmem>>) semaphore(%arg9 : memref<!tpu.dma_semaphore, #tpu.memory_space<semaphore_mem>>)
    %dma_start3A_161 = arith.constant 13 : i32
    %dma_start3A_162 = arith.constant 13 : i32
    %dma_start3A_163 = arith.constant 0 : i32
    %dma_start3A_164 = tpu.memref_slice %arg6[%dma_start3A_161, %dma_start3A_163] : memref<16x128xi32, #tpu.memory_space<vmem>> -> memref<1x128xi32, #tpu.memory_space<vmem>>
    %dma_start3A_165 = tpu.memref_squeeze %dma_start3A_164 : memref<1x128xi32, #tpu.memory_space<vmem>> -> memref<128xi32, #tpu.memory_space<vmem>>
    %dma_start3A_166 = arith.constant 0 : i32
    %dma_start3A_167 = tpu.memref_slice %arg5[%dma_start3A_162, %dma_start3A_166] : memref<16x128xi32, #tpu.memory_space<vmem>> -> memref<1x128xi32, #tpu.memory_space<vmem>>
    %dma_start3A_168 = tpu.memref_squeeze %dma_start3A_167 : memref<1x128xi32, #tpu.memory_space<vmem>> -> memref<128xi32, #tpu.memory_space<vmem>>
    %dma_start3A_169 = arith.constant 0 : i32
    %dma_start3A_170 = tpu.memref_slice %arg8[%dma_start3A_169] : memref<32768xi32, #tpu.memory_space<vmem_shared>> -> memref<32768xi32, #tpu.memory_space<vmem_shared>>
    tpu.enqueue_indirect_dma source(%dma_start3A_165 : memref<128xi32, #tpu.memory_space<vmem>>) target(%dma_start3A_170 : memref<32768xi32, #tpu.memory_space<vmem_shared>>) offsets(%dma_start3A_168 : memref<128xi32, #tpu.memory_space<vmem>>) semaphore(%arg9 : memref<!tpu.dma_semaphore, #tpu.memory_space<semaphore_mem>>)
    %dma_start3A_171 = arith.constant 14 : i32
    %dma_start3A_172 = arith.constant 14 : i32
    %dma_start3A_173 = arith.constant 0 : i32
    %dma_start3A_174 = tpu.memref_slice %arg6[%dma_start3A_171, %dma_start3A_173] : memref<16x128xi32, #tpu.memory_space<vmem>> -> memref<1x128xi32, #tpu.memory_space<vmem>>
    %dma_start3A_175 = tpu.memref_squeeze %dma_start3A_174 : memref<1x128xi32, #tpu.memory_space<vmem>> -> memref<128xi32, #tpu.memory_space<vmem>>
    %dma_start3A_176 = arith.constant 0 : i32
    %dma_start3A_177 = tpu.memref_slice %arg5[%dma_start3A_172, %dma_start3A_176] : memref<16x128xi32, #tpu.memory_space<vmem>> -> memref<1x128xi32, #tpu.memory_space<vmem>>
    %dma_start3A_178 = tpu.memref_squeeze %dma_start3A_177 : memref<1x128xi32, #tpu.memory_space<vmem>> -> memref<128xi32, #tpu.memory_space<vmem>>
    %dma_start3A_179 = arith.constant 0 : i32
    %dma_start3A_180 = tpu.memref_slice %arg8[%dma_start3A_179] : memref<32768xi32, #tpu.memory_space<vmem_shared>> -> memref<32768xi32, #tpu.memory_space<vmem_shared>>
    tpu.enqueue_indirect_dma source(%dma_start3A_175 : memref<128xi32, #tpu.memory_space<vmem>>) target(%dma_start3A_180 : memref<32768xi32, #tpu.memory_space<vmem_shared>>) offsets(%dma_start3A_178 : memref<128xi32, #tpu.memory_space<vmem>>) semaphore(%arg9 : memref<!tpu.dma_semaphore, #tpu.memory_space<semaphore_mem>>)
    %dma_start3A_181 = arith.constant 15 : i32
    %dma_start3A_182 = arith.constant 15 : i32
    %dma_start3A_183 = arith.constant 0 : i32
    %dma_start3A_184 = tpu.memref_slice %arg6[%dma_start3A_181, %dma_start3A_183] : memref<16x128xi32, #tpu.memory_space<vmem>> -> memref<1x128xi32, #tpu.memory_space<vmem>>
    %dma_start3A_185 = tpu.memref_squeeze %dma_start3A_184 : memref<1x128xi32, #tpu.memory_space<vmem>> -> memref<128xi32, #tpu.memory_space<vmem>>
    %dma_start3A_186 = arith.constant 0 : i32
    %dma_start3A_187 = tpu.memref_slice %arg5[%dma_start3A_182, %dma_start3A_186] : memref<16x128xi32, #tpu.memory_space<vmem>> -> memref<1x128xi32, #tpu.memory_space<vmem>>
    %dma_start3A_188 = tpu.memref_squeeze %dma_start3A_187 : memref<1x128xi32, #tpu.memory_space<vmem>> -> memref<128xi32, #tpu.memory_space<vmem>>
    %dma_start3A_189 = arith.constant 0 : i32
    %dma_start3A_190 = tpu.memref_slice %arg8[%dma_start3A_189] : memref<32768xi32, #tpu.memory_space<vmem_shared>> -> memref<32768xi32, #tpu.memory_space<vmem_shared>>
    tpu.enqueue_indirect_dma source(%dma_start3A_185 : memref<128xi32, #tpu.memory_space<vmem>>) target(%dma_start3A_190 : memref<32768xi32, #tpu.memory_space<vmem_shared>>) offsets(%dma_start3A_188 : memref<128xi32, #tpu.memory_space<vmem>>) semaphore(%arg9 : memref<!tpu.dma_semaphore, #tpu.memory_space<semaphore_mem>>)
    %dma_wait3A_191 = arith.constant 0 : i32
    %dma_wait3A_192 = arith.constant 0 : i32
    %dma_wait3A_193 = arith.constant 0 : i32
    %dma_wait3A_194 = tpu.memref_slice %arg6[%dma_wait3A_191, %dma_wait3A_193] : memref<16x128xi32, #tpu.memory_space<vmem>> -> memref<1x128xi32, #tpu.memory_space<vmem>>
    %dma_wait3A_195 = tpu.memref_squeeze %dma_wait3A_194 : memref<1x128xi32, #tpu.memory_space<vmem>> -> memref<128xi32, #tpu.memory_space<vmem>>
    %dma_wait3A_196 = arith.constant 0 : i32
    %dma_wait3A_197 = tpu.memref_slice %arg5[%dma_wait3A_192, %dma_wait3A_196] : memref<16x128xi32, #tpu.memory_space<vmem>> -> memref<1x128xi32, #tpu.memory_space<vmem>>
    %dma_wait3A_198 = tpu.memref_squeeze %dma_wait3A_197 : memref<1x128xi32, #tpu.memory_space<vmem>> -> memref<128xi32, #tpu.memory_space<vmem>>
    %dma_wait3A_199 = arith.constant 0 : i32
    %dma_wait3A_200 = tpu.memref_slice %arg8[%dma_wait3A_199] : memref<32768xi32, #tpu.memory_space<vmem_shared>> -> memref<32768xi32, #tpu.memory_space<vmem_shared>>
    tpu.wait_indirect_dma semaphore(%arg9 : memref<!tpu.dma_semaphore, #tpu.memory_space<semaphore_mem>>) src(%dma_wait3A_195 : memref<128xi32, #tpu.memory_space<vmem>>) dst(%dma_wait3A_200 : memref<32768xi32, #tpu.memory_space<vmem_shared>>)
    %dma_wait3A_201 = arith.constant 1 : i32
    %dma_wait3A_202 = arith.constant 1 : i32
    %dma_wait3A_203 = arith.constant 0 : i32
    %dma_wait3A_204 = tpu.memref_slice %arg6[%dma_wait3A_201, %dma_wait3A_203] : memref<16x128xi32, #tpu.memory_space<vmem>> -> memref<1x128xi32, #tpu.memory_space<vmem>>
    %dma_wait3A_205 = tpu.memref_squeeze %dma_wait3A_204 : memref<1x128xi32, #tpu.memory_space<vmem>> -> memref<128xi32, #tpu.memory_space<vmem>>
    %dma_wait3A_206 = arith.constant 0 : i32
    %dma_wait3A_207 = tpu.memref_slice %arg5[%dma_wait3A_202, %dma_wait3A_206] : memref<16x128xi32, #tpu.memory_space<vmem>> -> memref<1x128xi32, #tpu.memory_space<vmem>>
    %dma_wait3A_208 = tpu.memref_squeeze %dma_wait3A_207 : memref<1x128xi32, #tpu.memory_space<vmem>> -> memref<128xi32, #tpu.memory_space<vmem>>
    %dma_wait3A_209 = arith.constant 0 : i32
    %dma_wait3A_210 = tpu.memref_slice %arg8[%dma_wait3A_209] : memref<32768xi32, #tpu.memory_space<vmem_shared>> -> memref<32768xi32, #tpu.memory_space<vmem_shared>>
    tpu.wait_indirect_dma semaphore(%arg9 : memref<!tpu.dma_semaphore, #tpu.memory_space<semaphore_mem>>) src(%dma_wait3A_205 : memref<128xi32, #tpu.memory_space<vmem>>) dst(%dma_wait3A_210 : memref<32768xi32, #tpu.memory_space<vmem_shared>>)
    %dma_wait3A_211 = arith.constant 2 : i32
    %dma_wait3A_212 = arith.constant 2 : i32
    %dma_wait3A_213 = arith.constant 0 : i32
    %dma_wait3A_214 = tpu.memref_slice %arg6[%dma_wait3A_211, %dma_wait3A_213] : memref<16x128xi32, #tpu.memory_space<vmem>> -> memref<1x128xi32, #tpu.memory_space<vmem>>
    %dma_wait3A_215 = tpu.memref_squeeze %dma_wait3A_214 : memref<1x128xi32, #tpu.memory_space<vmem>> -> memref<128xi32, #tpu.memory_space<vmem>>
    %dma_wait3A_216 = arith.constant 0 : i32
    %dma_wait3A_217 = tpu.memref_slice %arg5[%dma_wait3A_212, %dma_wait3A_216] : memref<16x128xi32, #tpu.memory_space<vmem>> -> memref<1x128xi32, #tpu.memory_space<vmem>>
    %dma_wait3A_218 = tpu.memref_squeeze %dma_wait3A_217 : memref<1x128xi32, #tpu.memory_space<vmem>> -> memref<128xi32, #tpu.memory_space<vmem>>
    %dma_wait3A_219 = arith.constant 0 : i32
    %dma_wait3A_220 = tpu.memref_slice %arg8[%dma_wait3A_219] : memref<32768xi32, #tpu.memory_space<vmem_shared>> -> memref<32768xi32, #tpu.memory_space<vmem_shared>>
    tpu.wait_indirect_dma semaphore(%arg9 : memref<!tpu.dma_semaphore, #tpu.memory_space<semaphore_mem>>) src(%dma_wait3A_215 : memref<128xi32, #tpu.memory_space<vmem>>) dst(%dma_wait3A_220 : memref<32768xi32, #tpu.memory_space<vmem_shared>>)
    %dma_wait3A_221 = arith.constant 3 : i32
    %dma_wait3A_222 = arith.constant 3 : i32
    %dma_wait3A_223 = arith.constant 0 : i32
    %dma_wait3A_224 = tpu.memref_slice %arg6[%dma_wait3A_221, %dma_wait3A_223] : memref<16x128xi32, #tpu.memory_space<vmem>> -> memref<1x128xi32, #tpu.memory_space<vmem>>
    %dma_wait3A_225 = tpu.memref_squeeze %dma_wait3A_224 : memref<1x128xi32, #tpu.memory_space<vmem>> -> memref<128xi32, #tpu.memory_space<vmem>>
    %dma_wait3A_226 = arith.constant 0 : i32
    %dma_wait3A_227 = tpu.memref_slice %arg5[%dma_wait3A_222, %dma_wait3A_226] : memref<16x128xi32, #tpu.memory_space<vmem>> -> memref<1x128xi32, #tpu.memory_space<vmem>>
    %dma_wait3A_228 = tpu.memref_squeeze %dma_wait3A_227 : memref<1x128xi32, #tpu.memory_space<vmem>> -> memref<128xi32, #tpu.memory_space<vmem>>
    %dma_wait3A_229 = arith.constant 0 : i32
    %dma_wait3A_230 = tpu.memref_slice %arg8[%dma_wait3A_229] : memref<32768xi32, #tpu.memory_space<vmem_shared>> -> memref<32768xi32, #tpu.memory_space<vmem_shared>>
    tpu.wait_indirect_dma semaphore(%arg9 : memref<!tpu.dma_semaphore, #tpu.memory_space<semaphore_mem>>) src(%dma_wait3A_225 : memref<128xi32, #tpu.memory_space<vmem>>) dst(%dma_wait3A_230 : memref<32768xi32, #tpu.memory_space<vmem_shared>>)
    %dma_wait3A_231 = arith.constant 4 : i32
    %dma_wait3A_232 = arith.constant 4 : i32
    %dma_wait3A_233 = arith.constant 0 : i32
    %dma_wait3A_234 = tpu.memref_slice %arg6[%dma_wait3A_231, %dma_wait3A_233] : memref<16x128xi32, #tpu.memory_space<vmem>> -> memref<1x128xi32, #tpu.memory_space<vmem>>
    %dma_wait3A_235 = tpu.memref_squeeze %dma_wait3A_234 : memref<1x128xi32, #tpu.memory_space<vmem>> -> memref<128xi32, #tpu.memory_space<vmem>>
    %dma_wait3A_236 = arith.constant 0 : i32
    %dma_wait3A_237 = tpu.memref_slice %arg5[%dma_wait3A_232, %dma_wait3A_236] : memref<16x128xi32, #tpu.memory_space<vmem>> -> memref<1x128xi32, #tpu.memory_space<vmem>>
    %dma_wait3A_238 = tpu.memref_squeeze %dma_wait3A_237 : memref<1x128xi32, #tpu.memory_space<vmem>> -> memref<128xi32, #tpu.memory_space<vmem>>
    %dma_wait3A_239 = arith.constant 0 : i32
    %dma_wait3A_240 = tpu.memref_slice %arg8[%dma_wait3A_239] : memref<32768xi32, #tpu.memory_space<vmem_shared>> -> memref<32768xi32, #tpu.memory_space<vmem_shared>>
    tpu.wait_indirect_dma semaphore(%arg9 : memref<!tpu.dma_semaphore, #tpu.memory_space<semaphore_mem>>) src(%dma_wait3A_235 : memref<128xi32, #tpu.memory_space<vmem>>) dst(%dma_wait3A_240 : memref<32768xi32, #tpu.memory_space<vmem_shared>>)
    %dma_wait3A_241 = arith.constant 5 : i32
    %dma_wait3A_242 = arith.constant 5 : i32
    %dma_wait3A_243 = arith.constant 0 : i32
    %dma_wait3A_244 = tpu.memref_slice %arg6[%dma_wait3A_241, %dma_wait3A_243] : memref<16x128xi32, #tpu.memory_space<vmem>> -> memref<1x128xi32, #tpu.memory_space<vmem>>
    %dma_wait3A_245 = tpu.memref_squeeze %dma_wait3A_244 : memref<1x128xi32, #tpu.memory_space<vmem>> -> memref<128xi32, #tpu.memory_space<vmem>>
    %dma_wait3A_246 = arith.constant 0 : i32
    %dma_wait3A_247 = tpu.memref_slice %arg5[%dma_wait3A_242, %dma_wait3A_246] : memref<16x128xi32, #tpu.memory_space<vmem>> -> memref<1x128xi32, #tpu.memory_space<vmem>>
    %dma_wait3A_248 = tpu.memref_squeeze %dma_wait3A_247 : memref<1x128xi32, #tpu.memory_space<vmem>> -> memref<128xi32, #tpu.memory_space<vmem>>
    %dma_wait3A_249 = arith.constant 0 : i32
    %dma_wait3A_250 = tpu.memref_slice %arg8[%dma_wait3A_249] : memref<32768xi32, #tpu.memory_space<vmem_shared>> -> memref<32768xi32, #tpu.memory_space<vmem_shared>>
    tpu.wait_indirect_dma semaphore(%arg9 : memref<!tpu.dma_semaphore, #tpu.memory_space<semaphore_mem>>) src(%dma_wait3A_245 : memref<128xi32, #tpu.memory_space<vmem>>) dst(%dma_wait3A_250 : memref<32768xi32, #tpu.memory_space<vmem_shared>>)
    %dma_wait3A_251 = arith.constant 6 : i32
    %dma_wait3A_252 = arith.constant 6 : i32
    %dma_wait3A_253 = arith.constant 0 : i32
    %dma_wait3A_254 = tpu.memref_slice %arg6[%dma_wait3A_251, %dma_wait3A_253] : memref<16x128xi32, #tpu.memory_space<vmem>> -> memref<1x128xi32, #tpu.memory_space<vmem>>
    %dma_wait3A_255 = tpu.memref_squeeze %dma_wait3A_254 : memref<1x128xi32, #tpu.memory_space<vmem>> -> memref<128xi32, #tpu.memory_space<vmem>>
    %dma_wait3A_256 = arith.constant 0 : i32
    %dma_wait3A_257 = tpu.memref_slice %arg5[%dma_wait3A_252, %dma_wait3A_256] : memref<16x128xi32, #tpu.memory_space<vmem>> -> memref<1x128xi32, #tpu.memory_space<vmem>>
    %dma_wait3A_258 = tpu.memref_squeeze %dma_wait3A_257 : memref<1x128xi32, #tpu.memory_space<vmem>> -> memref<128xi32, #tpu.memory_space<vmem>>
    %dma_wait3A_259 = arith.constant 0 : i32
    %dma_wait3A_260 = tpu.memref_slice %arg8[%dma_wait3A_259] : memref<32768xi32, #tpu.memory_space<vmem_shared>> -> memref<32768xi32, #tpu.memory_space<vmem_shared>>
    tpu.wait_indirect_dma semaphore(%arg9 : memref<!tpu.dma_semaphore, #tpu.memory_space<semaphore_mem>>) src(%dma_wait3A_255 : memref<128xi32, #tpu.memory_space<vmem>>) dst(%dma_wait3A_260 : memref<32768xi32, #tpu.memory_space<vmem_shared>>)
    %dma_wait3A_261 = arith.constant 7 : i32
    %dma_wait3A_262 = arith.constant 7 : i32
    %dma_wait3A_263 = arith.constant 0 : i32
    %dma_wait3A_264 = tpu.memref_slice %arg6[%dma_wait3A_261, %dma_wait3A_263] : memref<16x128xi32, #tpu.memory_space<vmem>> -> memref<1x128xi32, #tpu.memory_space<vmem>>
    %dma_wait3A_265 = tpu.memref_squeeze %dma_wait3A_264 : memref<1x128xi32, #tpu.memory_space<vmem>> -> memref<128xi32, #tpu.memory_space<vmem>>
    %dma_wait3A_266 = arith.constant 0 : i32
    %dma_wait3A_267 = tpu.memref_slice %arg5[%dma_wait3A_262, %dma_wait3A_266] : memref<16x128xi32, #tpu.memory_space<vmem>> -> memref<1x128xi32, #tpu.memory_space<vmem>>
    %dma_wait3A_268 = tpu.memref_squeeze %dma_wait3A_267 : memref<1x128xi32, #tpu.memory_space<vmem>> -> memref<128xi32, #tpu.memory_space<vmem>>
    %dma_wait3A_269 = arith.constant 0 : i32
    %dma_wait3A_270 = tpu.memref_slice %arg8[%dma_wait3A_269] : memref<32768xi32, #tpu.memory_space<vmem_shared>> -> memref<32768xi32, #tpu.memory_space<vmem_shared>>
    tpu.wait_indirect_dma semaphore(%arg9 : memref<!tpu.dma_semaphore, #tpu.memory_space<semaphore_mem>>) src(%dma_wait3A_265 : memref<128xi32, #tpu.memory_space<vmem>>) dst(%dma_wait3A_270 : memref<32768xi32, #tpu.memory_space<vmem_shared>>)
    %dma_wait3A_271 = arith.constant 8 : i32
    %dma_wait3A_272 = arith.constant 8 : i32
    %dma_wait3A_273 = arith.constant 0 : i32
    %dma_wait3A_274 = tpu.memref_slice %arg6[%dma_wait3A_271, %dma_wait3A_273] : memref<16x128xi32, #tpu.memory_space<vmem>> -> memref<1x128xi32, #tpu.memory_space<vmem>>
    %dma_wait3A_275 = tpu.memref_squeeze %dma_wait3A_274 : memref<1x128xi32, #tpu.memory_space<vmem>> -> memref<128xi32, #tpu.memory_space<vmem>>
    %dma_wait3A_276 = arith.constant 0 : i32
    %dma_wait3A_277 = tpu.memref_slice %arg5[%dma_wait3A_272, %dma_wait3A_276] : memref<16x128xi32, #tpu.memory_space<vmem>> -> memref<1x128xi32, #tpu.memory_space<vmem>>
    %dma_wait3A_278 = tpu.memref_squeeze %dma_wait3A_277 : memref<1x128xi32, #tpu.memory_space<vmem>> -> memref<128xi32, #tpu.memory_space<vmem>>
    %dma_wait3A_279 = arith.constant 0 : i32
    %dma_wait3A_280 = tpu.memref_slice %arg8[%dma_wait3A_279] : memref<32768xi32, #tpu.memory_space<vmem_shared>> -> memref<32768xi32, #tpu.memory_space<vmem_shared>>
    tpu.wait_indirect_dma semaphore(%arg9 : memref<!tpu.dma_semaphore, #tpu.memory_space<semaphore_mem>>) src(%dma_wait3A_275 : memref<128xi32, #tpu.memory_space<vmem>>) dst(%dma_wait3A_280 : memref<32768xi32, #tpu.memory_space<vmem_shared>>)
    %dma_wait3A_281 = arith.constant 9 : i32
    %dma_wait3A_282 = arith.constant 9 : i32
    %dma_wait3A_283 = arith.constant 0 : i32
    %dma_wait3A_284 = tpu.memref_slice %arg6[%dma_wait3A_281, %dma_wait3A_283] : memref<16x128xi32, #tpu.memory_space<vmem>> -> memref<1x128xi32, #tpu.memory_space<vmem>>
    %dma_wait3A_285 = tpu.memref_squeeze %dma_wait3A_284 : memref<1x128xi32, #tpu.memory_space<vmem>> -> memref<128xi32, #tpu.memory_space<vmem>>
    %dma_wait3A_286 = arith.constant 0 : i32
    %dma_wait3A_287 = tpu.memref_slice %arg5[%dma_wait3A_282, %dma_wait3A_286] : memref<16x128xi32, #tpu.memory_space<vmem>> -> memref<1x128xi32, #tpu.memory_space<vmem>>
    %dma_wait3A_288 = tpu.memref_squeeze %dma_wait3A_287 : memref<1x128xi32, #tpu.memory_space<vmem>> -> memref<128xi32, #tpu.memory_space<vmem>>
    %dma_wait3A_289 = arith.constant 0 : i32
    %dma_wait3A_290 = tpu.memref_slice %arg8[%dma_wait3A_289] : memref<32768xi32, #tpu.memory_space<vmem_shared>> -> memref<32768xi32, #tpu.memory_space<vmem_shared>>
    tpu.wait_indirect_dma semaphore(%arg9 : memref<!tpu.dma_semaphore, #tpu.memory_space<semaphore_mem>>) src(%dma_wait3A_285 : memref<128xi32, #tpu.memory_space<vmem>>) dst(%dma_wait3A_290 : memref<32768xi32, #tpu.memory_space<vmem_shared>>)
    %dma_wait3A_291 = arith.constant 10 : i32
    %dma_wait3A_292 = arith.constant 10 : i32
    %dma_wait3A_293 = arith.constant 0 : i32
    %dma_wait3A_294 = tpu.memref_slice %arg6[%dma_wait3A_291, %dma_wait3A_293] : memref<16x128xi32, #tpu.memory_space<vmem>> -> memref<1x128xi32, #tpu.memory_space<vmem>>
    %dma_wait3A_295 = tpu.memref_squeeze %dma_wait3A_294 : memref<1x128xi32, #tpu.memory_space<vmem>> -> memref<128xi32, #tpu.memory_space<vmem>>
    %dma_wait3A_296 = arith.constant 0 : i32
    %dma_wait3A_297 = tpu.memref_slice %arg5[%dma_wait3A_292, %dma_wait3A_296] : memref<16x128xi32, #tpu.memory_space<vmem>> -> memref<1x128xi32, #tpu.memory_space<vmem>>
    %dma_wait3A_298 = tpu.memref_squeeze %dma_wait3A_297 : memref<1x128xi32, #tpu.memory_space<vmem>> -> memref<128xi32, #tpu.memory_space<vmem>>
    %dma_wait3A_299 = arith.constant 0 : i32
    %dma_wait3A_300 = tpu.memref_slice %arg8[%dma_wait3A_299] : memref<32768xi32, #tpu.memory_space<vmem_shared>> -> memref<32768xi32, #tpu.memory_space<vmem_shared>>
    tpu.wait_indirect_dma semaphore(%arg9 : memref<!tpu.dma_semaphore, #tpu.memory_space<semaphore_mem>>) src(%dma_wait3A_295 : memref<128xi32, #tpu.memory_space<vmem>>) dst(%dma_wait3A_300 : memref<32768xi32, #tpu.memory_space<vmem_shared>>)
    %dma_wait3A_301 = arith.constant 11 : i32
    %dma_wait3A_302 = arith.constant 11 : i32
    %dma_wait3A_303 = arith.constant 0 : i32
    %dma_wait3A_304 = tpu.memref_slice %arg6[%dma_wait3A_301, %dma_wait3A_303] : memref<16x128xi32, #tpu.memory_space<vmem>> -> memref<1x128xi32, #tpu.memory_space<vmem>>
    %dma_wait3A_305 = tpu.memref_squeeze %dma_wait3A_304 : memref<1x128xi32, #tpu.memory_space<vmem>> -> memref<128xi32, #tpu.memory_space<vmem>>
    %dma_wait3A_306 = arith.constant 0 : i32
    %dma_wait3A_307 = tpu.memref_slice %arg5[%dma_wait3A_302, %dma_wait3A_306] : memref<16x128xi32, #tpu.memory_space<vmem>> -> memref<1x128xi32, #tpu.memory_space<vmem>>
    %dma_wait3A_308 = tpu.memref_squeeze %dma_wait3A_307 : memref<1x128xi32, #tpu.memory_space<vmem>> -> memref<128xi32, #tpu.memory_space<vmem>>
    %dma_wait3A_309 = arith.constant 0 : i32
    %dma_wait3A_310 = tpu.memref_slice %arg8[%dma_wait3A_309] : memref<32768xi32, #tpu.memory_space<vmem_shared>> -> memref<32768xi32, #tpu.memory_space<vmem_shared>>
    tpu.wait_indirect_dma semaphore(%arg9 : memref<!tpu.dma_semaphore, #tpu.memory_space<semaphore_mem>>) src(%dma_wait3A_305 : memref<128xi32, #tpu.memory_space<vmem>>) dst(%dma_wait3A_310 : memref<32768xi32, #tpu.memory_space<vmem_shared>>)
    %dma_wait3A_311 = arith.constant 12 : i32
    %dma_wait3A_312 = arith.constant 12 : i32
    %dma_wait3A_313 = arith.constant 0 : i32
    %dma_wait3A_314 = tpu.memref_slice %arg6[%dma_wait3A_311, %dma_wait3A_313] : memref<16x128xi32, #tpu.memory_space<vmem>> -> memref<1x128xi32, #tpu.memory_space<vmem>>
    %dma_wait3A_315 = tpu.memref_squeeze %dma_wait3A_314 : memref<1x128xi32, #tpu.memory_space<vmem>> -> memref<128xi32, #tpu.memory_space<vmem>>
    %dma_wait3A_316 = arith.constant 0 : i32
    %dma_wait3A_317 = tpu.memref_slice %arg5[%dma_wait3A_312, %dma_wait3A_316] : memref<16x128xi32, #tpu.memory_space<vmem>> -> memref<1x128xi32, #tpu.memory_space<vmem>>
    %dma_wait3A_318 = tpu.memref_squeeze %dma_wait3A_317 : memref<1x128xi32, #tpu.memory_space<vmem>> -> memref<128xi32, #tpu.memory_space<vmem>>
    %dma_wait3A_319 = arith.constant 0 : i32
    %dma_wait3A_320 = tpu.memref_slice %arg8[%dma_wait3A_319] : memref<32768xi32, #tpu.memory_space<vmem_shared>> -> memref<32768xi32, #tpu.memory_space<vmem_shared>>
    tpu.wait_indirect_dma semaphore(%arg9 : memref<!tpu.dma_semaphore, #tpu.memory_space<semaphore_mem>>) src(%dma_wait3A_315 : memref<128xi32, #tpu.memory_space<vmem>>) dst(%dma_wait3A_320 : memref<32768xi32, #tpu.memory_space<vmem_shared>>)
    %dma_wait3A_321 = arith.constant 13 : i32
    %dma_wait3A_322 = arith.constant 13 : i32
    %dma_wait3A_323 = arith.constant 0 : i32
    %dma_wait3A_324 = tpu.memref_slice %arg6[%dma_wait3A_321, %dma_wait3A_323] : memref<16x128xi32, #tpu.memory_space<vmem>> -> memref<1x128xi32, #tpu.memory_space<vmem>>
    %dma_wait3A_325 = tpu.memref_squeeze %dma_wait3A_324 : memref<1x128xi32, #tpu.memory_space<vmem>> -> memref<128xi32, #tpu.memory_space<vmem>>
    %dma_wait3A_326 = arith.constant 0 : i32
    %dma_wait3A_327 = tpu.memref_slice %arg5[%dma_wait3A_322, %dma_wait3A_326] : memref<16x128xi32, #tpu.memory_space<vmem>> -> memref<1x128xi32, #tpu.memory_space<vmem>>
    %dma_wait3A_328 = tpu.memref_squeeze %dma_wait3A_327 : memref<1x128xi32, #tpu.memory_space<vmem>> -> memref<128xi32, #tpu.memory_space<vmem>>
    %dma_wait3A_329 = arith.constant 0 : i32
    %dma_wait3A_330 = tpu.memref_slice %arg8[%dma_wait3A_329] : memref<32768xi32, #tpu.memory_space<vmem_shared>> -> memref<32768xi32, #tpu.memory_space<vmem_shared>>
    tpu.wait_indirect_dma semaphore(%arg9 : memref<!tpu.dma_semaphore, #tpu.memory_space<semaphore_mem>>) src(%dma_wait3A_325 : memref<128xi32, #tpu.memory_space<vmem>>) dst(%dma_wait3A_330 : memref<32768xi32, #tpu.memory_space<vmem_shared>>)
    %dma_wait3A_331 = arith.constant 14 : i32
    %dma_wait3A_332 = arith.constant 14 : i32
    %dma_wait3A_333 = arith.constant 0 : i32
    %dma_wait3A_334 = tpu.memref_slice %arg6[%dma_wait3A_331, %dma_wait3A_333] : memref<16x128xi32, #tpu.memory_space<vmem>> -> memref<1x128xi32, #tpu.memory_space<vmem>>
    %dma_wait3A_335 = tpu.memref_squeeze %dma_wait3A_334 : memref<1x128xi32, #tpu.memory_space<vmem>> -> memref<128xi32, #tpu.memory_space<vmem>>
    %dma_wait3A_336 = arith.constant 0 : i32
    %dma_wait3A_337 = tpu.memref_slice %arg5[%dma_wait3A_332, %dma_wait3A_336] : memref<16x128xi32, #tpu.memory_space<vmem>> -> memref<1x128xi32, #tpu.memory_space<vmem>>
    %dma_wait3A_338 = tpu.memref_squeeze %dma_wait3A_337 : memref<1x128xi32, #tpu.memory_space<vmem>> -> memref<128xi32, #tpu.memory_space<vmem>>
    %dma_wait3A_339 = arith.constant 0 : i32
    %dma_wait3A_340 = tpu.memref_slice %arg8[%dma_wait3A_339] : memref<32768xi32, #tpu.memory_space<vmem_shared>> -> memref<32768xi32, #tpu.memory_space<vmem_shared>>
    tpu.wait_indirect_dma semaphore(%arg9 : memref<!tpu.dma_semaphore, #tpu.memory_space<semaphore_mem>>) src(%dma_wait3A_335 : memref<128xi32, #tpu.memory_space<vmem>>) dst(%dma_wait3A_340 : memref<32768xi32, #tpu.memory_space<vmem_shared>>)
    %dma_wait3A_341 = arith.constant 15 : i32
    %dma_wait3A_342 = arith.constant 15 : i32
    %dma_wait3A_343 = arith.constant 0 : i32
    %dma_wait3A_344 = tpu.memref_slice %arg6[%dma_wait3A_341, %dma_wait3A_343] : memref<16x128xi32, #tpu.memory_space<vmem>> -> memref<1x128xi32, #tpu.memory_space<vmem>>
    %dma_wait3A_345 = tpu.memref_squeeze %dma_wait3A_344 : memref<1x128xi32, #tpu.memory_space<vmem>> -> memref<128xi32, #tpu.memory_space<vmem>>
    %dma_wait3A_346 = arith.constant 0 : i32
    %dma_wait3A_347 = tpu.memref_slice %arg5[%dma_wait3A_342, %dma_wait3A_346] : memref<16x128xi32, #tpu.memory_space<vmem>> -> memref<1x128xi32, #tpu.memory_space<vmem>>
    %dma_wait3A_348 = tpu.memref_squeeze %dma_wait3A_347 : memref<1x128xi32, #tpu.memory_space<vmem>> -> memref<128xi32, #tpu.memory_space<vmem>>
    %dma_wait3A_349 = arith.constant 0 : i32
    %dma_wait3A_350 = tpu.memref_slice %arg8[%dma_wait3A_349] : memref<32768xi32, #tpu.memory_space<vmem_shared>> -> memref<32768xi32, #tpu.memory_space<vmem_shared>>
    tpu.wait_indirect_dma semaphore(%arg9 : memref<!tpu.dma_semaphore, #tpu.memory_space<semaphore_mem>>) src(%dma_wait3A_345 : memref<128xi32, #tpu.memory_space<vmem>>) dst(%dma_wait3A_350 : memref<32768xi32, #tpu.memory_space<vmem_shared>>)
    %barrier3A = arith.constant 0 : index
    tpu.barrier barrier_id(%barrier3A)
    "tpu.region"() ({
      %run_scoped3A = tpu.sem_alloc : memref<!tpu.dma_semaphore, #tpu.memory_space<semaphore_mem>>
      %dma_start3A_351 = tpu.memref_slice %arg8[%mul3A_0] : memref<32768xi32, #tpu.memory_space<vmem_shared>> -> memref<2048xi32, #tpu.memory_space<vmem_shared>>
      %dma_start3A_352 = tpu.memref_slice %arg8[%mul3A_0] : memref<32768xi32, #tpu.memory_space<vmem_shared>> -> memref<2048xi32, #tpu.memory_space<vmem_shared>>
      tpu.enqueue_dma source(%dma_start3A_352 : memref<2048xi32, #tpu.memory_space<vmem_shared>>) target(%arg7 : memref<2048xi32, #tpu.memory_space<vmem>>) target_semaphore(%run_scoped3A : memref<!tpu.dma_semaphore, #tpu.memory_space<semaphore_mem>>)
      %dma_wait3A_353 = tpu.memref_slice %arg8[%mul3A_0] : memref<32768xi32, #tpu.memory_space<vmem_shared>> -> memref<2048xi32, #tpu.memory_space<vmem_shared>>
      %dma_wait3A_354 = tpu.memref_slice %arg8[%mul3A_0] : memref<32768xi32, #tpu.memory_space<vmem_shared>> -> memref<2048xi32, #tpu.memory_space<vmem_shared>>
      tpu.wait_dma2 semaphore(%run_scoped3A : memref<!tpu.dma_semaphore, #tpu.memory_space<semaphore_mem>>) src(%dma_wait3A_354 : memref<2048xi32, #tpu.memory_space<vmem_shared>>) dst(%arg7 : memref<2048xi32, #tpu.memory_space<vmem>>)
      tpu.yield
    }) : () -> ()
    "tpu.region"() ({
      %run_scoped3A = tpu.sem_alloc : memref<!tpu.dma_semaphore, #tpu.memory_space<semaphore_mem>>
      %dma_start3A_351 = tpu.memref_slice %arg4[%mul3A_0] : memref<32768xi32, #tpu.memory_space<hbm>> -> memref<2048xi32, #tpu.memory_space<hbm>>
      %dma_start3A_352 = tpu.memref_slice %arg4[%mul3A_0] : memref<32768xi32, #tpu.memory_space<hbm>> -> memref<2048xi32, #tpu.memory_space<hbm>>
      tpu.enqueue_dma source(%arg7 : memref<2048xi32, #tpu.memory_space<vmem>>) target(%dma_start3A_352 : memref<2048xi32, #tpu.memory_space<hbm>>) target_semaphore(%run_scoped3A : memref<!tpu.dma_semaphore, #tpu.memory_space<semaphore_mem>>)
      %dma_wait3A_353 = tpu.memref_slice %arg4[%mul3A_0] : memref<32768xi32, #tpu.memory_space<hbm>> -> memref<2048xi32, #tpu.memory_space<hbm>>
      %dma_wait3A_354 = tpu.memref_slice %arg4[%mul3A_0] : memref<32768xi32, #tpu.memory_space<hbm>> -> memref<2048xi32, #tpu.memory_space<hbm>>
      tpu.wait_dma2 semaphore(%run_scoped3A : memref<!tpu.dma_semaphore, #tpu.memory_space<semaphore_mem>>) src(%arg7 : memref<2048xi32, #tpu.memory_space<vmem>>) dst(%dma_wait3A_354 : memref<2048xi32, #tpu.memory_space<hbm>>)
      tpu.yield
    }) : () -> ()
    return
  }
}

module attributes {stable_mosaic.version = 14 : i64} {
  func.func @_mlp_kernel(%arg0: i32, %arg1: memref<4096x768xf32, #tpu.memory_space<vmem>>, %arg2: memref<1x4096xi32, #tpu.memory_space<vmem>>, %arg3: memref<768x512xbf16, #tpu.memory_space<vmem>>, %arg4: memref<512x1xf32, #tpu.memory_space<vmem>>, %arg5: memref<520x16xbf16, #tpu.memory_space<vmem>>, %arg6: memref<4096x16xf32, #tpu.memory_space<vmem>>) attributes {dimension_semantics = [#tpu.dimension_semantics<arbitrary>], iteration_bounds = array<i64: 8>, scalar_prefetch = 0 : i64, scratch_operands = 0 : i64, tpu.core_type = #tpu.core_type<tc>, window_params = [{transform_indices = @transform_0, window_bounds = array<i64: 4096, 768>}, {transform_indices = @transform_1, window_bounds = array<i64: 1, 4096>}, {pipeline_mode = #tpu.pipeline_mode<synchronous>, transform_indices = @transform_2, window_bounds = array<i64: 768, 512>}, {pipeline_mode = #tpu.pipeline_mode<synchronous>, transform_indices = @transform_3, window_bounds = array<i64: 512, 1>}, {pipeline_mode = #tpu.pipeline_mode<synchronous>, transform_indices = @transform_4, window_bounds = array<i64: 520, 16>}, {transform_indices = @transform_5, window_bounds = array<i64: 4096, 16>}]} {
    %get3A = arith.constant 0 : index
    %get3A_0 = arith.constant 0 : index
    %get3A_1 = vector.load %arg1[%get3A, %get3A_0] : memref<4096x768xf32, #tpu.memory_space<vmem>>, vector<4096x768xf32>
    %convert_element_type3A = arith.truncf %get3A_1 : vector<4096x768xf32> to vector<4096x768xbf16>
    %get3A_2 = arith.constant 0 : index
    %get3A_3 = arith.constant 0 : index
    %get3A_4 = vector.load %arg3[%get3A_2, %get3A_3] : memref<768x512xbf16, #tpu.memory_space<vmem>>, vector<768x512xbf16>
    %dot_general3A = arith.constant dense<0.000000e+00> : vector<512x4096xf32>
    %dot_general3A_5 = tpu.matmul %get3A_4, %convert_element_type3A, %dot_general3A {dimension_numbers = #tpu.dot_dimension_numbers<[0], [1], [1], [0], [0, 1, 1, 0], [], []>, transpose_lhs_hint = false} : vector<768x512xbf16>, vector<4096x768xbf16>, vector<512x4096xf32> -> vector<512x4096xf32>
    %get3A_6 = arith.constant 0 : index
    %get3A_7 = arith.constant 0 : index
    %get3A_8 = vector.load %arg4[%get3A_6, %get3A_7] : memref<512x1xf32, #tpu.memory_space<vmem>>, vector<512x1xf32>
    %add3A = vector.broadcast %get3A_8 : vector<512x1xf32> to vector<512x4096xf32>
    %add3A_9 = arith.addf %dot_general3A_5, %add3A : vector<512x4096xf32>
    %logistic3A = arith.negf %add3A_9 : vector<512x4096xf32>
    %logistic3A_10 = math.exp %logistic3A : vector<512x4096xf32>
    %logistic3A_11 = arith.constant 1.000000e+00 : f32
    %logistic3A_12 = vector.broadcast %logistic3A_11 : f32 to vector<512x4096xf32>
    %logistic3A_13 = arith.addf %logistic3A_12, %logistic3A_10 : vector<512x4096xf32>
    %logistic3A_14 = arith.divf %logistic3A_12, %logistic3A_13 : vector<512x4096xf32>
    %mul3A = arith.mulf %add3A_9, %logistic3A_14 : vector<512x4096xf32>
    %get3A_15 = arith.constant 0 : index
    %get3A_16 = arith.constant 0 : index
    %get3A_17 = vector.load %arg2[%get3A_15, %get3A_16] : memref<1x4096xi32, #tpu.memory_space<vmem>>, vector<1x4096xi32>
    %iota3A = tpu.iota {dimensions = array<i32: 0>} : vector<512x1xi32>
    %jit3A = arith.constant 64 : i32
    %div3A = vector.broadcast %jit3A : i32 to vector<512x1xi32>
    %div3A_18 = arith.divsi %iota3A, %div3A : vector<512x1xi32>
    %sign3A = arith.constant 0 : i32
    %sign3A_19 = vector.broadcast %sign3A : i32 to vector<512x1xi32>
    %sign3A_20 = arith.cmpi sgt, %iota3A, %sign3A_19 : vector<512x1xi32>
    %sign3A_21 = arith.extui %sign3A_20 : vector<512x1xi1> to vector<512x1xi32>
    %sign3A_22 = arith.constant 0 : i32
    %sign3A_23 = vector.broadcast %sign3A_22 : i32 to vector<512x1xi32>
    %sign3A_24 = arith.cmpi slt, %iota3A, %sign3A_23 : vector<512x1xi32>
    %sign3A_25 = arith.extui %sign3A_24 : vector<512x1xi1> to vector<512x1xi32>
    %sign3A_26 = arith.subi %sign3A_21, %sign3A_25 : vector<512x1xi32>
    %sign3A_27 = arith.constant 0 : i32
    %sign3A_28 = arith.cmpi sgt, %jit3A, %sign3A_27 : i32
    %sign3A_29 = arith.extui %sign3A_28 : i1 to i32
    %sign3A_30 = arith.constant 0 : i32
    %sign3A_31 = arith.cmpi slt, %jit3A, %sign3A_30 : i32
    %sign3A_32 = arith.extui %sign3A_31 : i1 to i32
    %sign3A_33 = arith.subi %sign3A_29, %sign3A_32 : i32
    %ne3A = vector.broadcast %sign3A_33 : i32 to vector<512x1xi32>
    %ne3A_34 = arith.cmpi ne, %sign3A_26, %ne3A : vector<512x1xi32>
    %rem3A = vector.broadcast %jit3A : i32 to vector<512x1xi32>
    %rem3A_35 = arith.remsi %iota3A, %rem3A : vector<512x1xi32>
    %ne3A_36 = arith.constant 0 : i32
    %ne3A_37 = vector.broadcast %ne3A_36 : i32 to vector<512x1xi32>
    %ne3A_38 = arith.cmpi ne, %rem3A_35, %ne3A_37 : vector<512x1xi32>
    %and3A = arith.andi %ne3A_34, %ne3A_38 : vector<512x1xi1>
    %sub3A = arith.constant 1 : i32
    %sub3A_39 = vector.broadcast %sub3A : i32 to vector<512x1xi32>
    %sub3A_40 = arith.subi %div3A_18, %sub3A_39 : vector<512x1xi32>
    %select_n3A = arith.select %and3A, %sub3A_40, %div3A_18 : vector<512x1xi1>, vector<512x1xi32>
    %eq3A = vector.broadcast %get3A_17 : vector<1x4096xi32> to vector<512x4096xi32>
    %eq3A_41 = vector.broadcast %select_n3A : vector<512x1xi32> to vector<512x4096xi32>
    %eq3A_42 = arith.cmpi eq, %eq3A, %eq3A_41 : vector<512x4096xi32>
    %jit3A_43 = arith.constant 0.000000e+00 : f32
    %broadcast_in_dim3A = vector.broadcast %jit3A_43 : f32 to vector<512x4096xf32>
    %select_n3A_44 = arith.select %eq3A_42, %mul3A, %broadcast_in_dim3A : vector<512x4096xi1>, vector<512x4096xf32>
    %convert_element_type3A_45 = arith.truncf %select_n3A_44 : vector<512x4096xf32> to vector<512x4096xbf16>
    %iota3A_46 = tpu.iota {dimensions = array<i32: 0>} : vector<8x1xi32>
    %eq3A_47 = vector.broadcast %get3A_17 : vector<1x4096xi32> to vector<8x4096xi32>
    %eq3A_48 = vector.broadcast %iota3A_46 : vector<8x1xi32> to vector<8x4096xi32>
    %eq3A_49 = arith.cmpi eq, %eq3A_47, %eq3A_48 : vector<8x4096xi32>
    %jit3A_50 = arith.constant 1.000000e+00 : f32
    %jit3A_51 = arith.constant 0.000000e+00 : f32
    %broadcast_in_dim3A_52 = vector.broadcast %jit3A_50 : f32 to vector<8x4096xf32>
    %broadcast_in_dim3A_53 = vector.broadcast %jit3A_51 : f32 to vector<8x4096xf32>
    %select_n3A_54 = arith.select %eq3A_49, %broadcast_in_dim3A_52, %broadcast_in_dim3A_53 : vector<8x4096xi1>, vector<8x4096xf32>
    %convert_element_type3A_55 = arith.truncf %select_n3A_54 : vector<8x4096xf32> to vector<8x4096xbf16>
    %concatenate3A = tpu.concatenate %convert_element_type3A_45, %convert_element_type3A_55 in 0 : vector<512x4096xbf16>, vector<8x4096xbf16> -> vector<520x4096xbf16>
    %get3A_56 = arith.constant 0 : index
    %get3A_57 = arith.constant 0 : index
    %get3A_58 = vector.load %arg5[%get3A_56, %get3A_57] : memref<520x16xbf16, #tpu.memory_space<vmem>>, vector<520x16xbf16>
    %dot_general3A_59 = arith.constant dense<0.000000e+00> : vector<4096x16xf32>
    %dot_general3A_60 = tpu.matmul %concatenate3A, %get3A_58, %dot_general3A_59 {dimension_numbers = #tpu.dot_dimension_numbers<[0], [0], [1], [1], [0, 1, 1, 1], [], []>, transpose_lhs_hint = false} : vector<520x4096xbf16>, vector<520x16xbf16>, vector<4096x16xf32> -> vector<4096x16xf32>
    %swap3A = arith.constant 0 : index
    %swap3A_61 = arith.constant 0 : index
    %swap3A_62 = vector.load %arg6[%swap3A, %swap3A_61] : memref<4096x16xf32, #tpu.memory_space<vmem>>, vector<4096x16xf32>
    tpu.vector_store %arg6[%swap3A, %swap3A_61], %dot_general3A_60 {strides = array<i32>} : memref<4096x16xf32, #tpu.memory_space<vmem>>, vector<4096x16xf32>,
    return
  }
  func.func @transform_0(%arg0: i32) -> (i32, i32) {
    %c0_i32 = arith.constant 0 : i32
    %c0_i32_0 = arith.constant 0 : i32
    return %arg0, %c0_i32 : i32, i32
  }
  func.func @transform_1(%arg0: i32) -> (i32, i32) {
    %c0_i32 = arith.constant 0 : i32
    %c0_i32_0 = arith.constant 0 : i32
    return %c0_i32, %arg0 : i32, i32
  }
  func.func @transform_2(%arg0: i32) -> (i32, i32) {
    %c0_i32 = arith.constant 0 : i32
    %c0_i32_0 = arith.constant 0 : i32
    %c0_i32_1 = arith.constant 0 : i32
    return %c0_i32, %c0_i32_0 : i32, i32
  }
  func.func @transform_3(%arg0: i32) -> (i32, i32) {
    %c0_i32 = arith.constant 0 : i32
    %c0_i32_0 = arith.constant 0 : i32
    %c0_i32_1 = arith.constant 0 : i32
    return %c0_i32, %c0_i32_0 : i32, i32
  }
  func.func @transform_4(%arg0: i32) -> (i32, i32) {
    %c0_i32 = arith.constant 0 : i32
    %c0_i32_0 = arith.constant 0 : i32
    %c0_i32_1 = arith.constant 0 : i32
    return %c0_i32, %c0_i32_0 : i32, i32
  }
  func.func @transform_5(%arg0: i32) -> (i32, i32) {
    %c0_i32 = arith.constant 0 : i32
    %c0_i32_0 = arith.constant 0 : i32
    return %arg0, %c0_i32 : i32, i32
  }
}

</mosaic_0001>

<sc_bundles>
// kernel: kernel.4.cloned.1.call-start
scs
__scs_entry_jumppad:
0x0: {  	(pc) =	sbr.rel $0x88, $3  }
0x1: {  	(tag) =	ssettag $0x0;
	lr =	simm.s32 $0x1  }
0x2: {  	[smem:$0x3F94] =	sst lr;
	_ =	strace $0xD0000000  }
0x3: {  	_ = 	snop  }
0x4: {  	_ = 	snop  }
0x5: {  	_ = 	snop  }
0x6: {  	_ = 	snop  }
0x7: {  	_ = 	snop  }
__scs_overlays_trampoline_lowered:
0x8: {  	[smem:$0x3FA3] =	sst s0  }
0x9: {  	[smem:$0x3FA4] =	sst s1  }
0xa: {  	[smem:$0x3FA5] =	sst s2  }
0xb: {  	[smem:$0x3FA6] =	sst s3  }
0xc: {  	[smem:$0x3FA7] =	sst s4  }
0xd: {  	[smem:$0x3FA8] =	sst s5  }
0xe: {  	[smem:$0x3FA9] =	sst s6  }
0xf: {  	[smem:$0x3FAA] =	sst s7  }
0x10: {  	[smem:$0x3FAB] =	sst s8  }
0x11: {  	[smem:$0x3FAC] =	sst s9;
	s0 =	simm.s32 @!p0 $0x0  }
0x12: {  	s1 =	sld [smem:$0x3F92];
	s0 =	simm.s32 @p0 $0x1  }
0x13: {  	[smem:$0x3FAD] =	sst s0;
	s0 =	simm.s32 @!p1 $0x0  }
0x14: {  	s2 =	sld [smem:$0x3F91];
	s0 =	simm.s32 @p1 $0x1  }
0x15: {  	[smem:$0x3FAE] =	sst s0;
	s0 =	simm.s32 @!p2 $0x0  }
0x16: {  	s3 =	sld [smem:$0x3FDB];
	s0 =	simm.s32 @p2 $0x1  }
0x17: {  	s4 =	simm.s32 $0x1BF5;
	[smem:$0x3FB0] =	sst s0  }
0x18: {  	s0 =	sld [smem:$0x3F93];
	_ =	swait.ge [sflag:s4], $0x0  }
0x19: {  	s7 =	sld [smem:$0x3F94]  }
0x1a: {  	s8 =	sadd.s32 $0xFFFFE003, lr  }
0x1b: {  	s9 =	sadd.s32 $0xFFFFFEF7, lr;
	s5 =	simm.s32 $0xFFFFFFFF;
	p2 =	slt.u32 s8, $0xFFFFF086  }
0x1c: {  	p1 =	slt.u32 s9, $0xF7A;
	s5 =	simm.s32 @!p2 $0x0  }
0x1d: {  	s5 =	simm.s32 @p1 $0x1;
	p0 =	seq.s32 s7, s2  }
0x1e: {  	s7 =	smul.u32 @!p0 $0xF7A, s2;
	p2 =	seq.s32 @!p0 s5, $0x0  }
0x1f: {  	s9 =	smul.u32 $0xF7A, s1;
	s8 =	simm.s32 @!p0 $0x1BF5;
	p2 =	por !p2, p0  }
0x20: {  	[sflag:s8] =	ssyncset.s32 @!p0 $0xFFFFF086;
	s6 =	sadd.s32 @!p0 s3, s7;
	s7 =	simm.s32 @!p0 $0x108  }
0x21: {  	s3 =	sadd.s32 s3, s9;
	s6 =	sadd.s32 @!p0 $0x88, s6;
	s7 =	simm.s32 @p2 $0x1082  }
0x22: {  	[simem:s7], [sflag:s8] =	dma.local @!p0 [hbm:s6], $0xF7A  }
0x23: {  	s9 =	sor.u32 $0xD0000000, s2;
	s6 =	simm.s32 $0x108;
	_ =	swait.ge @!p0 [sflag:s8], $0x0  }
0x24: {  	s3 =	sadd.s32 $0x88, s3;
	s6 =	simm.s32 @!p1 $0x1082;
	[sflag:s4] =	ssyncset.s32 $0xFFFFF086  }
0x25: {  	[simem:s6], [sflag:s4] =	dma.local [hbm:s3], $0xF7A  }
0x26: {  	[smem:$0x3F94] =	sst s1;
	(tag) =	ssettag s2;
	_ =	strace s9  }
0x27: {  	s1 =	sld [smem:$0x3FA4]  }
0x28: {  	s2 =	sld [smem:$0x3FA5]  }
0x29: {  	s4 =	sld [smem:$0x3FA7]  }
0x2a: {  	p0 =	seq.s32 s5, $0x0;
	s5 =	sld [smem:$0x3FA8]  }
0x2b: {  	s6 =	sld [smem:$0x3FA9]  }
0x2c: {  	s7 =	sld [smem:$0x3FAA]  }
0x2d: {  	s3 =	simm.s32 $0x108;
	s8 =	sld [smem:$0x3FAB]  }
0x2e: {  	s3 =	simm.s32 @!p0 $0x1082;
	s9 =	sld [smem:$0x3FAC]  }
0x2f: {  	lr =	sadd.s32 s0, s3;
	s0 =	sld [smem:$0x3FA3]  }
0x30: {  	s3 =	sld [smem:$0x3FA6]  }
0x31: {  	[smem:$0x3FAF] =	sst s10  }
0x32: {  	s10 =	sld [smem:$0x3FAD];
	_ =	sdelay $0x3  }
0x33: {  	p0 =	seq.s32 s10, $0x1;
	s10 =	sld [smem:$0x3FAF];
	_ =	sdelay $0x3  }
0x34: {  	[smem:$0x3FAF] =	sst s10  }
0x35: {  	s10 =	sld [smem:$0x3FAE];
	_ =	sdelay $0x3  }
0x36: {  	p1 =	seq.s32 s10, $0x1;
	s10 =	sld [smem:$0x3FAF];
	_ =	sdelay $0x3  }
0x37: {  	[smem:$0x3FAF] =	sst s10  }
0x38: {  	s10 =	sld [smem:$0x3FB0]  }
0x39: {  	_ = 	snop;
	(pc) =	sbr.ind lr, $3  }
0x3a: {  	_ = 	snop  }
0x3b: {  	_ = 	snop  }
0x3c: {  	p2 =	seq.s32 s10, $0x1;
	s10 =	sld [smem:$0x3FAF]  }
0x3d: {  	_ =	shalt  }
0x3e: {  	_ =	shalt  }
0x3f: {  	_ =	shalt  }
0x40: {  	_ =	shalt  }
0x41: {  	_ =	shalt  }
0x42: {  	_ =	shalt  }
0x43: {  	_ =	shalt  }
0x44: {  	_ =	shalt  }
0x45: {  	_ =	shalt  }
0x46: {  	_ =	shalt  }
0x47: {  	_ =	shalt  }
0x48: {  	_ =	shalt  }
0x49: {  	_ =	shalt  }
0x4a: {  	_ =	shalt  }
0x4b: {  	_ =	shalt  }
0x4c: {  	_ =	shalt  }
0x4d: {  	_ =	shalt  }
0x4e: {  	_ =	shalt  }
0x4f: {  	_ =	shalt  }
0x50: {  	_ =	shalt  }
0x51: {  	_ =	shalt  }
0x52: {  	_ =	shalt  }
0x53: {  	_ =	shalt  }
0x54: {  	_ =	shalt  }
0x55: {  	_ =	shalt  }
0x56: {  	_ =	shalt  }
0x57: {  	_ =	shalt  }
0x58: {  	_ =	shalt  }
0x59: {  	_ =	shalt  }
0x5a: {  	_ =	shalt  }
0x5b: {  	_ =	shalt  }
0x5c: {  	_ =	shalt  }
0x5d: {  	_ =	shalt  }
0x5e: {  	_ =	shalt  }
0x5f: {  	_ =	shalt  }
0x60: {  	_ =	shalt  }
0x61: {  	_ =	shalt  }
0x62: {  	_ =	shalt  }
0x63: {  	_ =	shalt  }
0x64: {  	_ =	shalt  }
0x65: {  	_ =	shalt  }
0x66: {  	_ =	shalt  }
0x67: {  	_ =	shalt  }
0x68: {  	_ =	shalt  }
0x69: {  	_ =	shalt  }
0x6a: {  	_ =	shalt  }
0x6b: {  	_ =	shalt  }
0x6c: {  	_ =	shalt  }
0x6d: {  	_ =	shalt  }
0x6e: {  	_ =	shalt  }
0x6f: {  	_ =	shalt  }
0x70: {  	_ =	shalt  }
0x71: {  	_ =	shalt  }
0x72: {  	_ =	shalt  }
0x73: {  	_ =	shalt  }
0x74: {  	_ =	shalt  }
0x75: {  	_ =	shalt  }
0x76: {  	_ =	shalt  }
0x77: {  	_ =	shalt  }
0x78: {  	_ =	shalt  }
0x79: {  	_ =	shalt  }
0x7a: {  	_ =	shalt  }
0x7b: {  	_ =	shalt  }
0x7c: {  	_ =	shalt  }
0x7d: {  	_ =	shalt  }
0x7e: {  	_ =	shalt  }
0x7f: {  	_ =	shalt  }
0x80: {  	_ =	shalt  }
0x81: {  	_ =	shalt  }
0x82: {  	_ =	shalt  }
0x83: {  	_ =	shalt  }
0x84: {  	_ =	shalt  }
0x85: {  	_ =	shalt  }
0x86: {  	_ =	shalt  }
0x87: {  	_ =	shalt  }
.Lfunc_end0:
.L_simem_size_0:
called_computation_lowered:
.L_overlay_start_0:
0x88: {  	s0 =	sld [smem:$0x3FD9]  }
0x89: {  	s1 =	sld [smem:$0x3FFE];
	_ =	sdelay $0x3  }
0x8a: {  	s0 =	sadd.s32 s1, s0  }
0x8b: {  	[smem:$0x3FBB] =	sst s0  }
0x8c: {  	_ = 	snop  }
0x8d: {  	s0 =	sld [smem:$0x3FD0];
	(tm) =	ssettm $0x1  }
0x8e: {  	s16 =	sld [smem:$0x3FFB];
	_ =	sdelay $0x3  }
0x8f: {  	_ =	strace s16  }
0x90: {  	s1 =	sld [smem:$0x3FFC];
	_ =	sdelay $0x3  }
0x91: {  	_ =	strace s1  }
0x92: {  	s1 =	sld [smem:$0x3FFD];
	_ =	sdelay $0x3  }
0x93: {  	_ =	strace s1  }
0x94: {  	_ =	strace $0x8FFFFFFF  }
0x95: {  	s17 =	sld [smem:$0x3FDB];
	_ =	sdelay $0x1  }
0x96: {  	s2 =	simm.s32 $_scs_section_size  }
0x97: {  	s3 =	simm.s32 $_size__tile_overlayer_lowered;
	s4 =	simm.s32 $_tile_overlayer_lowered  }
0x98: {  	s20 =	simm.s32 $0x1BFF;
	s19 =	sshll.u32 s4, $0x1;
	s1 =	sadd.s32 s2, s17  }
0x99: {  	s5 =	simm.s32 $0x0;
	s18 =	sshll.u32 s3, $0x1;
	s3 =	sadd.s32 s19, s1  }
0x9a: {  	[timem:s5], [sflag:s20] =	dma.local [hbm:s3], s18  }
0x9b: {  	_ =	swait.ge [sflag:s20], s18  }
0x9c: {  	s2 =	ssub.s32 $0x0, s18;
	[sflag:s20] =	ssyncset.done $0x0  }
0x9d: {  	[sflag:s20] =	ssyncadd.s32 s2;
	_ =	sdelay $0x1  }
0x9e: {  	s21 =	simm.s32 $0x1B8B  }
0x9f: {  	_ =	swait.ge [sflag:s21], $0x1  }
0xa0: {  	[sflag:s21] =	ssyncset.done $0x0  }
0xa1: {  	s23 =	simm.s32 $0x1B8E;
	s22 =	sld [smem:$0x3FFE];
	[sflag:s21] =	ssyncadd.s32 $0xFFFFFFFF  }
0xa2: {  	s24 =	simm.s32 $execute0_lowered;
	[smem:$0x3FD2] =	sst s23  }
0xa3: {  	s3 =	sshll.u32 s24, $0x1;
	_ =	strace $0x80000046;
	[dreg:$0x1] =	wrdreg $0xFFFFFFFF  }
0xa4: {  	s25 =	simm.s32 $_size_execute0_lowered;
	s1 =	sadd.s32 s1, s3;
	[dreg:$0x0] =	wrdreg $0x0  }
0xa5: {  	s3 =	sshll.u32 s25, $0x1;
	[dreg:$0x2] =	wrdreg s1  }
0xa6: {  	[dreg:$0x3] =	wrdreg s3  }
0xa7: {  	[dreg:$0x4] =	wrdreg $0xC0  }
0xa8: {  	_ =	task [dreg:s5], $0x5FFFF  }
0xa9: {  	[dreg:$0x1] =	wrdreg $0xFFFFFFFF  }
0xaa: {  	[dreg:$0x0] =	wrdreg $0x60  }
0xab: {  	[dreg:$0x2] =	wrdreg s0  }
0xac: {  	[dreg:$0x3] =	wrdreg s22  }
0xad: {  	[dreg:$0x4] =	wrdreg $0x18000  }
0xae: {  	[dreg:$0x5] =	wrdreg $0x9  }
0xaf: {  	_ =	task.clear_ibuf [dreg:s5], $0x6FFFF;
	_ =	strace $0x90000046  }
0xb0: {  	s26 =	simm.s32 $0x9;
	_ =	strace $0x80000048  }
0xb1: {  	_ =	swait.ge [sflag:s26], $0x1  }
0xb2: {  	[sflag:s26] =	ssyncadd.s32 $0xFFFFFFFF  }
0xb3: {  	_ =	strace $0x90000048  }
0xb4: {  	_ =	sfence  }
0xb5: {  	s28 =	sld [smem:$0x0];
	_ =	sdelay $0x1  }
0xb6: {  	s29 =	srdreg.scid  }
0xb7: {  	s30 =	sshll.u32 s29, $0xD;
	s31 =	sshrl.u32 s29, $0x2  }
0xb8: {  	s2 =	sand.u32 $0x4000, s30;
	s1 =	sand.u32 $0x1, s29;
	s0 =	sadd.s32 s31, s28  }
0xb9: {  	s1 =	sor.u32 s2, s1;
	s0 =	sshll.u32 s0, $0x11  }
0xba: {  	s0 =	sor.u32 s0, s1  }
0xbb: {  	s0 =	sadd.s32 $0x8F2B, s0  }
0xbc: {  	[sflag:s0] =	ssyncadd.remote.s32 $0x1  }
0xbd: {  	_ =	sfence.sel $0xFFFF  }
0xbe: {  	[dreg:$0x0] =	wrdreg $0xFFFFFFFF;
	(pc) =	sbr.abs _section_cstart, $3  }
0xbf: {  	[dreg:$0x1] =	wrdreg $0xFFFFFFFF  }
0xc0: {  	_ =	task.clear_ibuf [dreg:s5], $0x2FFFF;
	_ =	strace $0x9FFFFFFF  }
0xc1: {  	(tm) =	ssettm $0x7FFFFFFF  }
tec
execute0_lowered:
.L_overlay_start_1:
0x0: {  	(tag) =	ssettag $0x1  }
0x1: {  	s5 =	rddreg [dreg:$0x0]  }
0x2: {  	s4 =	rddreg [dreg:$0x1]  }
0x3: {  	s3 =	rddreg [dreg:$0x2]  }
0x4: {  	s0 =	rddreg [dreg:$0x3];
	s2 =	simm.s32 $0x0;
	s1 =	stileid.u32  }
0x5: {  	[smem:$0x7FF] =	sst s2;
	s6 =	sshll.u32 s1, $0x8  }
0x6: {  	_ =	strace $0x80000047;
	s4 =	sadd.s32 s6, s4;
	s5 =	sadd.s32 s5, s6  }
0x7: {  	[tilespmem:s2], [sflag:$0x1] =	stream.linear.gather [hbm4b:s5+s2], $0x800, $0x38;
	[tilespmem:$0x2000] =	vst v63  }
0x8: {  	s22 =	simm.s32 $0x800;
	s21 =	sadd.s32 $0x800, s4;
	s5 =	simm.s32 $0x1  }
0x9: {  	[tilespmem:s22], [sflag:$0x1] =	stream.linear.gather [hbm4b:s21+s2], $0x800, $0x38;
	[tilespmem:$0x2000] =	vst v63  }
0xa: {  	_ =	swait.ge [sflag:s5], $0x800  }
0xb: {  	[sflag:s5] =	ssyncset.done $0x0  }
0xc: {  	[sflag:s5] =	ssyncadd.s32 $0xFFFFF800  }
0xd: {  	_ =	swait.ge [sflag:s5], $0x800  }
0xe: {  	[sflag:s5] =	ssyncset.done $0x0  }
0xf: {  	s7 =	simm.s32 $0x80;
	[sflag:s5] =	ssyncadd.s32 $0xFFFFF800  }
0x10: {  	[spmem:s3] =	stream.indirect.scatter [tilespmem:s22], [sflag:$0x1], $0x1, s2, s7, $0xb8;
	[tilespmem:$0x2000] =	vst v63  }
0x11: {  	s23 =	simm.s32 $0x880  }
0x12: {  	[spmem:s3] =	stream.indirect.scatter [tilespmem:s23], [sflag:$0x1], $0x1, s7, s7, $0xb8;
	[tilespmem:$0x2000] =	vst v63  }
0x13: {  	s24 =	simm.s32 $0x100;
	s8 =	simm.s32 $0x900  }
0x14: {  	[spmem:s3] =	stream.indirect.scatter [tilespmem:s8], [sflag:$0x1], $0x1, s24, s7, $0xb8;
	[tilespmem:$0x2000] =	vst v63  }
0x15: {  	s25 =	simm.s32 $0x180;
	s26 =	simm.s32 $0x980  }
0x16: {  	[spmem:s3] =	stream.indirect.scatter [tilespmem:s26], [sflag:$0x1], $0x1, s25, s7, $0xb8;
	[tilespmem:$0x2000] =	vst v63  }
0x17: {  	s28 =	simm.s32 $0x200;
	s29 =	simm.s32 $0xA00  }
0x18: {  	[spmem:s3] =	stream.indirect.scatter [tilespmem:s29], [sflag:$0x1], $0x1, s28, s7, $0xb8;
	[tilespmem:$0x2000] =	vst v63  }
0x19: {  	s30 =	simm.s32 $0x280;
	s31 =	simm.s32 $0xA80  }
0x1a: {  	[spmem:s3] =	stream.indirect.scatter [tilespmem:s31], [sflag:$0x1], $0x1, s30, s7, $0xb8;
	[tilespmem:$0x2000] =	vst v63  }
0x1b: {  	s9 =	simm.s32 $0xB00;
	s8 =	simm.s32 $0x300  }
0x1c: {  	[spmem:s3] =	stream.indirect.scatter [tilespmem:s9], [sflag:$0x1], $0x1, s8, s7, $0xb8;
	[tilespmem:$0x2000] =	vst v63  }
0x1d: {  	s10 =	simm.s32 $0x380;
	s11 =	simm.s32 $0xB80  }
0x1e: {  	[spmem:s3] =	stream.indirect.scatter [tilespmem:s11], [sflag:$0x1], $0x1, s10, s7, $0xb8;
	[tilespmem:$0x2000] =	vst v63  }
0x1f: {  	s12 =	simm.s32 $0x400;
	s13 =	simm.s32 $0xC00  }
0x20: {  	[spmem:s3] =	stream.indirect.scatter [tilespmem:s13], [sflag:$0x1], $0x1, s12, s7, $0xb8;
	[tilespmem:$0x2000] =	vst v63  }
0x21: {  	s14 =	simm.s32 $0x480;
	s15 =	simm.s32 $0xC80  }
0x22: {  	[spmem:s3] =	stream.indirect.scatter [tilespmem:s15], [sflag:$0x1], $0x1, s14, s7, $0xb8;
	[tilespmem:$0x2000] =	vst v63  }
0x23: {  	s16 =	simm.s32 $0x500;
	s17 =	simm.s32 $0xD00  }
0x24: {  	[spmem:s3] =	stream.indirect.scatter [tilespmem:s17], [sflag:$0x1], $0x1, s16, s7, $0xb8;
	[tilespmem:$0x2000] =	vst v63  }
0x25: {  	s18 =	simm.s32 $0x580;
	s19 =	simm.s32 $0xD80  }
0x26: {  	[spmem:s3] =	stream.indirect.scatter [tilespmem:s19], [sflag:$0x1], $0x1, s18, s7, $0xb8;
	[tilespmem:$0x2000] =	vst v63  }
0x27: {  	s20 =	simm.s32 $0x600;
	s21 =	simm.s32 $0xE00  }
0x28: {  	[spmem:s3] =	stream.indirect.scatter [tilespmem:s21], [sflag:$0x1], $0x1, s20, s7, $0xb8;
	[tilespmem:$0x2000] =	vst v63  }
0x29: {  	s22 =	simm.s32 $0x680;
	s23 =	simm.s32 $0xE80  }
0x2a: {  	[spmem:s3] =	stream.indirect.scatter [tilespmem:s23], [sflag:$0x1], $0x1, s22, s7, $0xb8;
	[tilespmem:$0x2000] =	vst v63  }
0x2b: {  	s24 =	simm.s32 $0x700;
	s25 =	simm.s32 $0xF00  }
0x2c: {  	[spmem:s3] =	stream.indirect.scatter [tilespmem:s25], [sflag:$0x1], $0x1, s24, s7, $0xb8;
	[tilespmem:$0x2000] =	vst v63  }
0x2d: {  	s26 =	simm.s32 $0x780;
	s28 =	simm.s32 $0xF80  }
0x2e: {  	[spmem:s3] =	stream.indirect.scatter [tilespmem:s28], [sflag:$0x1], $0x1, s26, s7, $0xb8;
	[tilespmem:$0x2000] =	vst v63  }
0x2f: {  	_ =	swait.ge [sflag:s5], $0x80  }
0x30: {  	[sflag:s5] =	ssyncset.done $0x0  }
0x31: {  	[sflag:s5] =	ssyncadd.s32 $0xFFFFFF80  }
0x32: {  	_ =	swait.ge [sflag:s5], $0x80  }
0x33: {  	[sflag:s5] =	ssyncset.done $0x0  }
0x34: {  	[sflag:s5] =	ssyncadd.s32 $0xFFFFFF80  }
0x35: {  	_ =	swait.ge [sflag:s5], $0x80  }
0x36: {  	[sflag:s5] =	ssyncset.done $0x0  }
0x37: {  	[sflag:s5] =	ssyncadd.s32 $0xFFFFFF80  }
0x38: {  	_ =	swait.ge [sflag:s5], $0x80  }
0x39: {  	[sflag:s5] =	ssyncset.done $0x0  }
0x3a: {  	[sflag:s5] =	ssyncadd.s32 $0xFFFFFF80  }
0x3b: {  	_ =	swait.ge [sflag:s5], $0x80  }
0x3c: {  	[sflag:s5] =	ssyncset.done $0x0  }
0x3d: {  	[sflag:s5] =	ssyncadd.s32 $0xFFFFFF80  }
0x3e: {  	_ =	swait.ge [sflag:s5], $0x80  }
0x3f: {  	[sflag:s5] =	ssyncset.done $0x0  }
0x40: {  	[sflag:s5] =	ssyncadd.s32 $0xFFFFFF80  }
0x41: {  	_ =	swait.ge [sflag:s5], $0x80  }
0x42: {  	[sflag:s5] =	ssyncset.done $0x0  }
0x43: {  	[sflag:s5] =	ssyncadd.s32 $0xFFFFFF80  }
0x44: {  	_ =	swait.ge [sflag:s5], $0x80  }
0x45: {  	[sflag:s5] =	ssyncset.done $0x0  }
0x46: {  	[sflag:s5] =	ssyncadd.s32 $0xFFFFFF80  }
0x47: {  	_ =	swait.ge [sflag:s5], $0x80  }
0x48: {  	[sflag:s5] =	ssyncset.done $0x0  }
0x49: {  	[sflag:s5] =	ssyncadd.s32 $0xFFFFFF80  }
0x4a: {  	_ =	swait.ge [sflag:s5], $0x80  }
0x4b: {  	[sflag:s5] =	ssyncset.done $0x0  }
0x4c: {  	[sflag:s5] =	ssyncadd.s32 $0xFFFFFF80  }
0x4d: {  	_ =	swait.ge [sflag:s5], $0x80  }
0x4e: {  	[sflag:s5] =	ssyncset.done $0x0  }
0x4f: {  	[sflag:s5] =	ssyncadd.s32 $0xFFFFFF80  }
0x50: {  	_ =	swait.ge [sflag:s5], $0x80  }
0x51: {  	[sflag:s5] =	ssyncset.done $0x0  }
0x52: {  	[sflag:s5] =	ssyncadd.s32 $0xFFFFFF80  }
0x53: {  	_ =	swait.ge [sflag:s5], $0x80  }
0x54: {  	[sflag:s5] =	ssyncset.done $0x0  }
0x55: {  	[sflag:s5] =	ssyncadd.s32 $0xFFFFFF80  }
0x56: {  	_ =	swait.ge [sflag:s5], $0x80  }
0x57: {  	[sflag:s5] =	ssyncset.done $0x0  }
0x58: {  	[sflag:s5] =	ssyncadd.s32 $0xFFFFFF80  }
0x59: {  	_ =	swait.ge [sflag:s5], $0x80  }
0x5a: {  	[sflag:s5] =	ssyncset.done $0x0  }
0x5b: {  	[sflag:s5] =	ssyncadd.s32 $0xFFFFFF80  }
0x5c: {  	_ =	swait.ge [sflag:s5], $0x80  }
0x5d: {  	[sflag:s5] =	ssyncset.done $0x0  }
0x5e: {  	s29 =	sshll.u32 s1, $0xB;
	s30 =	simm.s32 $0x1000;
	[sflag:s5] =	ssyncadd.s32 $0xFFFFFF80  }
0x5f: {  	s31 =	simm.s32 $0x2;
	s3 =	sadd.s32 s29, s3;
	[bflag:$0x0] =	sbarrier.arrive $0xFFFF  }
0x60: {  	[tilespmem:s30], [sflag:$0x2] =	stream.linear.gather [spmem:s3], $0x800, $0x38;
	[tilespmem:$0x2000] =	vst v63  }
0x61: {  	_ =	swait.ge [sflag:s31], $0x800  }
0x62: {  	[sflag:s31] =	ssyncset.done $0x0  }
0x63: {  	s4 =	sadd.s32 $0x1800, s4;
	[sflag:s31] =	ssyncadd.s32 $0xFFFFF800  }
0x64: {  	[hbm4b:s4+s2] =	stream.linear.scatter [tilespmem:s30], [sflag:$0x2], $0x800, $0x38;
	[tilespmem:$0x2000] =	vst v63  }
0x65: {  	_ =	swait.ge [sflag:s31], $0x800  }
0x66: {  	[sflag:s31] =	ssyncset.done $0x0  }
0x67: {  	[sflag:s31] =	ssyncadd.s32 $0xFFFFF800  }
0x68: {  	_ =	sfence.sel $0x180000  }
0x69: {  	[bflag:$0x0] =	sbarrier.arrive $0xFFFF  }
0x6a: {  	p0 =	sne.s32 s1, $0x0;
	_ =	strace $0x90000047  }
0x6b: {  	s0 =	sadd.s32 @!p0 $0x100000, s0;
	[bflag:$0x2] =	sbarrier.arrive $0xFFFF  }
0x6c: {  	[sflag:s0] =	ssyncadd.tile.s32 @!p0 $0x1;
	_ =	shalt  }
.Lfunc_end2:
_tile_overlayer_lowered:
.L_overlay_start_2:
0x6d: {  	(tag) =	ssettag $0x2  }
0x6e: {  	s0 =	rddreg [dreg:$0x0];
	s2 =	stileid.u32  }
0x6f: {  	s1 =	rddreg [dreg:$0x1];
	p0 =	sne.s32 s2, $0x0  }
0x70: {  	s3 =	rddreg [dreg:$0x2];
	[bflag:$0x3] =	sbarrier.arrive $0xFFFF;
	s2 =	simm.s32 @!p0 $0x1C02  }
0x71: {  	[timem:s3], [sflag:s2] =	dma.local @!p0 [hbm:s0], s1  }
0x72: {  	s0 =	simm.s32 @!p0 $0x2  }
0x73: {  	_ =	swait.ge @!p0 [sflag:s0], s1  }
0x74: {  	s1 =	ssub.s32 @!p0 $0x0, s1;
	[sflag:s0] =	ssyncset.done @!p0 $0x0  }
0x75: {  	[sflag:s0] =	ssyncadd.s32 @!p0 s1  }
0x76: {  	[bflag:$0x3] =	sbarrier.arrive $0xFFFF  }
0x77: {  	_ =	shalt  }

</sc_bundles>
